<compile_context>
chip_gen: v7x
topology: tpu7x:2x2x1
jax: 0.10.2.dev20260603
libtpu: 0.0.44.dev20260713+nightly
codegen_flags: <defaults>
</compile_context>

<pallas_src>
import jax
import jax.numpy as jnp
from jax import lax
from jax.experimental import pallas as pl
from jax.experimental.pallas import tpu as pltpu
from jax.experimental.pallas import tpu_sc as plsc

H = 64
M = 8
V = 128
B = 128
L = 8192
NW = 32
ROWS_PER_W = B // NW
LANES = 16


def _gate_body(e_hbm_ref, w_ref, b_ref, score_ref, score_row_ref, wp_row_ref,
               e_vmem, sem):
    cp = pltpu.make_async_copy(e_hbm_ref, e_vmem, sem)
    cp.start()
    cp.wait()
    s = jnp.sum(e_vmem[...] * w_ref[...], axis=1, keepdims=True) + b_ref[0, 0]
    score_ref[...] = s
    s_row = s.reshape(1, V)
    score_row_ref[...] = s_row
    wp_row_ref[...] = jax.nn.sigmoid(s_row)


def _gate_table(embed_table, wg_w, wg_b):
    return pl.pallas_call(
        _gate_body,
        in_specs=[pl.BlockSpec(memory_space=pltpu.MemorySpace.HBM),
                  pl.BlockSpec(memory_space=pltpu.MemorySpace.VMEM),
                  pl.BlockSpec(memory_space=pltpu.MemorySpace.VMEM)],
        out_shape=[jax.ShapeDtypeStruct((V, 1), jnp.float32),
                   jax.ShapeDtypeStruct((1, V), jnp.float32),
                   jax.ShapeDtypeStruct((1, V), jnp.float32)],
        scratch_shapes=[pltpu.VMEM((V, H), jnp.float32),
                        pltpu.SemaphoreType.DMA],
    )(embed_table, wg_w.reshape(1, H), wg_b.reshape(1, 1))


def _sc_body(seq_hbm, tab_hbm, wp_hbm, cnt_hbm, seq_v, wp_v, tab_v, hist_v, cnt_v,
             isem0, isem1, osem0, osem1):
    wid = lax.axis_index("s") * 2 + lax.axis_index("c")
    lane_base = lax.iota(jnp.int32, LANES) * V
    ones = jnp.ones((LANES,), jnp.float32)
    zeros = jnp.zeros((LANES,), jnp.float32)
    isems = [isem0, isem1]
    osems = [osem0, osem1]

    pltpu.sync_copy(tab_hbm, tab_v)

    rows = [wid * ROWS_PER_W + k for k in range(ROWS_PER_W)]
    in_h = [None] * ROWS_PER_W
    out_h = [None] * ROWS_PER_W
    in_h[0] = pltpu.async_copy(seq_hbm.at[rows[0]], seq_v.at[0], isems[0])
    for k in range(ROWS_PER_W):
        b = k % 2
        if k + 1 < ROWS_PER_W:
            in_h[k + 1] = pltpu.async_copy(seq_hbm.at[rows[k + 1]],
                                           seq_v.at[1 - b], isems[1 - b])
        in_h[k].wait()
        if k >= 2:
            out_h[k - 2].wait()

        for g in range(V // LANES):
            hist_v[pl.ds(g * LANES, LANES)] = zeros

        @plsc.parallel_loop(0, L // LANES, unroll=16)
        def tok_body(i):
            base = i * LANES
            idx = seq_v[b, pl.ds(base, LANES)]
            wp_v[b, pl.ds(base, LANES)] = plsc.load_gather(tab_v, [idx])
            plsc.addupdate_scatter(hist_v, [idx], ones)

        out_h[k] = pltpu.async_copy(wp_v.at[b], wp_hbm.at[rows[k]], osems[b])
        pltpu.sync_copy(hist_v, cnt_hbm.at[rows[k]])
    out_h[ROWS_PER_W - 2].wait()
    out_h[ROWS_PER_W - 1].wait()


_sc_gather_hist = pl.kernel(
    _sc_body,
    out_type=[jax.ShapeDtypeStruct((B, L), jnp.float32),
              jax.ShapeDtypeStruct((B, V), jnp.float32)],
    mesh=plsc.VectorSubcoreMesh(core_axis_name="c", subcore_axis_name="s"),
    compiler_params=pltpu.CompilerParams(needs_layout_passes=False),
    scratch_types=[
        pltpu.VMEM((2, L), jnp.int32),
        pltpu.VMEM((2, L), jnp.float32),
        pltpu.VMEM((V,), jnp.float32),
        pltpu.VMEM((V,), jnp.float32),
        pltpu.VMEM((V,), jnp.float32),
        pltpu.SemaphoreType.DMA,
        pltpu.SemaphoreType.DMA,
        pltpu.SemaphoreType.DMA,
        pltpu.SemaphoreType.DMA,
    ],
)


def _combine_body(cnt_ref, su_ref, sv_ref, e_ref, rg_ref, rgb_ref,
                  hw_ref, hb_ref, logits_ref, rp_ref):
    cnt = cnt_ref[...]
    su = su_ref[...]
    sv = sv_ref[...]
    iu = lax.broadcasted_iota(jnp.int32, (V, V), 0)
    iv = lax.broadcasted_iota(jnp.int32, (V, V), 1)
    prec = jnp.where((su > sv) | ((su == sv) & (iu < iv)),
                     jnp.float32(1), jnp.float32(0))
    ca = jnp.dot(cnt, prec, preferred_element_type=jnp.float32)
    tot = ca + cnt
    e = e_ref[...]
    ctx = jnp.dot(cnt, e, preferred_element_type=jnp.float32) * jnp.float32(1.0 / L)
    rg = rg_ref[...]
    a = lax.dot_general(ctx, rg[:, :H], (((1,), (1,)), ((), ())),
                        preferred_element_type=jnp.float32)
    rgb = rgb_ref[0, 0]
    den = jnp.zeros((B, 1), jnp.float32)
    wsum = jnp.zeros((B, H), jnp.float32)
    rps = []
    for j in range(M):
        selj = jnp.where((ca <= j) & (j < tot), jnp.float32(1), jnp.float32(0))
        memj = jnp.dot(selj, e, preferred_element_type=jnp.float32)
        mj = lax.dot_general(memj, rg[:, H:], (((1,), (1,)), ((), ())),
                             preferred_element_type=jnp.float32)
        rpj = jax.nn.sigmoid(a + mj + rgb)
        rps.append(rpj)
        den = den + rpj
        wsum = wsum + rpj * memj
    retrieved = wsum / (den + jnp.float32(1e-8))
    logits_ref[...] = lax.dot_general(retrieved, hw_ref[...],
                                      (((1,), (1,)), ((), ())),
                                      preferred_element_type=jnp.float32) + hb_ref[...]
    rp_ref[...] = jnp.concatenate([r.reshape(1, B) for r in rps], axis=0)


def kernel(seq, embed_table, wg_w, wg_b, rg_w, rg_b, head_w, head_b):
    embed_table = embed_table.astype(jnp.float32)
    score, score_row, wp_row = _gate_table(embed_table, wg_w.astype(jnp.float32),
                                           jnp.asarray(wg_b, jnp.float32))
    write_prob, counts = _sc_gather_hist(seq.astype(jnp.int32), wp_row.reshape(V))
    logits, read_prob_t = pl.pallas_call(
        _combine_body,
        out_shape=[jax.ShapeDtypeStruct((B, V), jnp.float32),
                   jax.ShapeDtypeStruct((M, B), jnp.float32)],
    )(counts, score, score_row, embed_table,
      rg_w.reshape(1, 2 * H).astype(jnp.float32),
      jnp.asarray(rg_b, jnp.float32).reshape(1, 1),
      head_w.astype(jnp.float32), head_b.reshape(1, V).astype(jnp.float32))
    return (logits, write_prob, read_prob_t.T)

# --- scband reference (transcript-rebuilt; emitter-appended) ---
"""Pipeline reference for scband-minimal-controller-77068893160303 (READ-ONLY COPY).

The authoritative reference and input builder live on the scoring server;
editing this copy changes nothing except your own understanding.
"""

import jax, jax.numpy as jnp
import numpy as np

HIDDEN_DIM = 64
MEMORY_SLOTS = 8
VOCAB_SIZE = 128

def setup_inputs(seed: int = 0) -> dict:
    key = jax.random.key(seed)
    ks = jax.random.split(key, 8)
    B, L = 128, 8192
    seq = jax.random.randint(ks[0], (B, L), 0, VOCAB_SIZE)
    embed_table = jax.random.normal(ks[1], (VOCAB_SIZE, HIDDEN_DIM), dtype=jnp.float32)
    wg_w = jax.random.normal(ks[2], (HIDDEN_DIM,), dtype=jnp.float32) * (1.0 / np.sqrt(HIDDEN_DIM))
    wg_b = jnp.zeros((), dtype=jnp.float32)
    rg_w = jax.random.normal(ks[3], (2 * HIDDEN_DIM,), dtype=jnp.float32) * (1.0 / np.sqrt(2 * HIDDEN_DIM))
    rg_b = jnp.zeros((), dtype=jnp.float32)
    head_w = jax.random.normal(ks[4], (VOCAB_SIZE, HIDDEN_DIM), dtype=jnp.float32) * (1.0 / np.sqrt(HIDDEN_DIM))
    head_b = jnp.zeros((VOCAB_SIZE,), dtype=jnp.float32)
    return {"seq": seq, "embed_table": embed_table, "wg_w": wg_w, "wg_b": wg_b,
            "rg_w": rg_w, "rg_b": rg_b, "head_w": head_w, "head_b": head_b}

def reference(seq, embed_table, wg_w, wg_b, rg_w, rg_b, head_w, head_b):
    # write gate: embedding lookup + linear + sigmoid
    h = jnp.take(embed_table, seq, axis=0)            # (B, L, H)
    write_prob = jax.nn.sigmoid(h @ wg_w + wg_b)       # (B, L)
    # top-k masking: select MEMORY_SLOTS token positions per row
    _, topk_idx = jax.lax.top_k(write_prob, MEMORY_SLOTS)   # (B, M)
    memory = jnp.take_along_axis(h, topk_idx[..., None], axis=1)  # (B, M, H)
    ctx = h.mean(axis=1)                               # (B, H)
    # read gate
    ctx_exp = jnp.broadcast_to(ctx[:, None, :], memory.shape)     # (B, M, H)
    pairs = jnp.concatenate([ctx_exp, memory], axis=-1)           # (B, M, 2H)
    read_prob = jax.nn.sigmoid(pairs @ rg_w + rg_b)    # (B, M)
    retrieved = (read_prob[..., None] * memory).sum(axis=1) / (read_prob.sum(axis=1, keepdims=True) + 1e-08)
    logits = retrieved @ head_w.T + head_b             # (B, VOCAB)
    return (logits, write_prob, read_prob)

if __name__ == "__main__":
    import jax
    _d = setup_inputs()
    print(jax.jit(kernel)(*tuple(_d.values())))

</pallas_src>

<mosaic_0001>
#map = affine_map<(d0, d1) -> (0, 0)>
#map1 = affine_map<(d0, d1) -> (0)>
module attributes {stable_mosaic.version = 14 : i64} {
  func.func @_sc_body(%arg0: i32, %arg1: i32, %arg2: memref<128x8192xi32, #tpu.memory_space<hbm>>, %arg3: memref<128xf32, #tpu.memory_space<hbm>>, %arg4: memref<128x8192xf32, #tpu.memory_space<hbm>>, %arg5: memref<128x128xf32, #tpu.memory_space<hbm>>, %arg6: memref<2x8192xi32, #tpu.memory_space<vmem>>, %arg7: memref<2x8192xf32, #tpu.memory_space<vmem>>, %arg8: memref<128xf32, #tpu.memory_space<vmem>>, %arg9: memref<128xf32, #tpu.memory_space<vmem>>, %arg10: memref<128xf32, #tpu.memory_space<vmem>>, %arg11: memref<!tpu.dma_semaphore, #tpu.memory_space<semaphore_mem>>, %arg12: memref<!tpu.dma_semaphore, #tpu.memory_space<semaphore_mem>>, %arg13: memref<!tpu.dma_semaphore, #tpu.memory_space<semaphore_mem>>, %arg14: memref<!tpu.dma_semaphore, #tpu.memory_space<semaphore_mem>>) attributes {dimension_semantics = [#tpu.dimension_semantics<core_parallel>, #tpu.dimension_semantics<subcore_parallel>], iteration_bounds = array<i64: 2, 16>, scalar_prefetch = 0 : i64, scratch_operands = 9 : i64, tpu.core_type = #tpu.core_type<sc_vector_subcore>, window_params = [{transform_indices = #map}, {transform_indices = #map1}, {transform_indices = #map}, {transform_indices = #map}]} {
    %mul3A = arith.constant 2 : i32
    %mul3A_0 = arith.muli %arg1, %mul3A : i32
    %add3A = arith.addi %mul3A_0, %arg0 : i32
    %iota3A = tpu.iota {dimensions = array<i32: 0>} : vector<16xi32>
    %mul3A_1 = arith.constant 128 : i32
    %mul3A_2 = vector.broadcast %mul3A_1 : i32 to vector<16xi32>
    %mul3A_3 = arith.muli %iota3A, %mul3A_2 : vector<16xi32>
    %broadcast_in_dim3A = arith.constant 1.000000e+00 : f32
    %broadcast_in_dim3A_4 = vector.broadcast %broadcast_in_dim3A : f32 to vector<16xf32>
    %broadcast_in_dim3A_5 = arith.constant 0.000000e+00 : f32
    %broadcast_in_dim3A_6 = vector.broadcast %broadcast_in_dim3A_5 : f32 to vector<16xf32>
    "tpu.region"() ({
      %run_scoped3A = tpu.sem_alloc : memref<!tpu.dma_semaphore, #tpu.memory_space<semaphore_mem>>
      tpu.enqueue_dma source(%arg3 : memref<128xf32, #tpu.memory_space<hbm>>) target(%arg8 : memref<128xf32, #tpu.memory_space<vmem>>) target_semaphore(%run_scoped3A : memref<!tpu.dma_semaphore, #tpu.memory_space<semaphore_mem>>)
      tpu.wait_dma2 semaphore(%run_scoped3A : memref<!tpu.dma_semaphore, #tpu.memory_space<semaphore_mem>>) src(%arg3 : memref<128xf32, #tpu.memory_space<hbm>>) dst(%arg8 : memref<128xf32, #tpu.memory_space<vmem>>)
      tpu.yield
    }) : () -> ()
    %mul3A_7 = arith.constant 4 : i32
    %mul3A_8 = arith.muli %add3A, %mul3A_7 : i32
    %add3A_9 = arith.constant 0 : i32
    %add3A_10 = arith.addi %mul3A_8, %add3A_9 : i32
    %mul3A_11 = arith.constant 4 : i32
    %mul3A_12 = arith.muli %add3A, %mul3A_11 : i32
    %add3A_13 = arith.constant 1 : i32
    %add3A_14 = arith.addi %mul3A_12, %add3A_13 : i32
    %mul3A_15 = arith.constant 4 : i32
    %mul3A_16 = arith.muli %add3A, %mul3A_15 : i32
    %add3A_17 = arith.constant 2 : i32
    %add3A_18 = arith.addi %mul3A_16, %add3A_17 : i32
    %mul3A_19 = arith.constant 4 : i32
    %mul3A_20 = arith.muli %add3A, %mul3A_19 : i32
    %add3A_21 = arith.constant 3 : i32
    %add3A_22 = arith.addi %mul3A_20, %add3A_21 : i32
    %dma_start3A = arith.constant 0 : i32
    %dma_start3A_23 = arith.constant 0 : i32
    %dma_start3A_24 = tpu.memref_slice %arg6[%dma_start3A, %dma_start3A_23] : memref<2x8192xi32, #tpu.memory_space<vmem>> -> memref<1x8192xi32, #tpu.memory_space<vmem>>
    %dma_start3A_25 = tpu.memref_squeeze %dma_start3A_24 : memref<1x8192xi32, #tpu.memory_space<vmem>> -> memref<8192xi32, #tpu.memory_space<vmem>>
    %dma_start3A_26 = arith.constant 0 : i32
    %dma_start3A_27 = tpu.memref_slice %arg2[%add3A_10, %dma_start3A_26] : memref<128x8192xi32, #tpu.memory_space<hbm>> -> memref<1x8192xi32, #tpu.memory_space<hbm>>
    %dma_start3A_28 = tpu.memref_squeeze %dma_start3A_27 : memref<1x8192xi32, #tpu.memory_space<hbm>> -> memref<8192xi32, #tpu.memory_space<hbm>>
    %dma_start3A_29 = arith.constant 0 : i32
    %dma_start3A_30 = tpu.memref_slice %arg6[%dma_start3A, %dma_start3A_29] : memref<2x8192xi32, #tpu.memory_space<vmem>> -> memref<1x8192xi32, #tpu.memory_space<vmem>>
    %dma_start3A_31 = tpu.memref_squeeze %dma_start3A_30 : memref<1x8192xi32, #tpu.memory_space<vmem>> -> memref<8192xi32, #tpu.memory_space<vmem>>
    %dma_start3A_32 = arith.constant 0 : i32
    %dma_start3A_33 = tpu.memref_slice %arg2[%add3A_10, %dma_start3A_32] : memref<128x8192xi32, #tpu.memory_space<hbm>> -> memref<1x8192xi32, #tpu.memory_space<hbm>>
    %dma_start3A_34 = tpu.memref_squeeze %dma_start3A_33 : memref<1x8192xi32, #tpu.memory_space<hbm>> -> memref<8192xi32, #tpu.memory_space<hbm>>
    tpu.enqueue_dma source(%dma_start3A_34 : memref<8192xi32, #tpu.memory_space<hbm>>) target(%dma_start3A_31 : memref<8192xi32, #tpu.memory_space<vmem>>) target_semaphore(%arg11 : memref<!tpu.dma_semaphore, #tpu.memory_space<semaphore_mem>>)
    %dma_start3A_35 = arith.constant 1 : i32
    %dma_start3A_36 = arith.constant 0 : i32
    %dma_start3A_37 = tpu.memref_slice %arg6[%dma_start3A_35, %dma_start3A_36] : memref<2x8192xi32, #tpu.memory_space<vmem>> -> memref<1x8192xi32, #tpu.memory_space<vmem>>
    %dma_start3A_38 = tpu.memref_squeeze %dma_start3A_37 : memref<1x8192xi32, #tpu.memory_space<vmem>> -> memref<8192xi32, #tpu.memory_space<vmem>>
    %dma_start3A_39 = arith.constant 0 : i32
    %dma_start3A_40 = tpu.memref_slice %arg2[%add3A_14, %dma_start3A_39] : memref<128x8192xi32, #tpu.memory_space<hbm>> -> memref<1x8192xi32, #tpu.memory_space<hbm>>
    %dma_start3A_41 = tpu.memref_squeeze %dma_start3A_40 : memref<1x8192xi32, #tpu.memory_space<hbm>> -> memref<8192xi32, #tpu.memory_space<hbm>>
    %dma_start3A_42 = arith.constant 0 : i32
    %dma_start3A_43 = tpu.memref_slice %arg6[%dma_start3A_35, %dma_start3A_42] : memref<2x8192xi32, #tpu.memory_space<vmem>> -> memref<1x8192xi32, #tpu.memory_space<vmem>>
    %dma_start3A_44 = tpu.memref_squeeze %dma_start3A_43 : memref<1x8192xi32, #tpu.memory_space<vmem>> -> memref<8192xi32, #tpu.memory_space<vmem>>
    %dma_start3A_45 = arith.constant 0 : i32
    %dma_start3A_46 = tpu.memref_slice %arg2[%add3A_14, %dma_start3A_45] : memref<128x8192xi32, #tpu.memory_space<hbm>> -> memref<1x8192xi32, #tpu.memory_space<hbm>>
    %dma_start3A_47 = tpu.memref_squeeze %dma_start3A_46 : memref<1x8192xi32, #tpu.memory_space<hbm>> -> memref<8192xi32, #tpu.memory_space<hbm>>
    tpu.enqueue_dma source(%dma_start3A_47 : memref<8192xi32, #tpu.memory_space<hbm>>) target(%dma_start3A_44 : memref<8192xi32, #tpu.memory_space<vmem>>) target_semaphore(%arg12 : memref<!tpu.dma_semaphore, #tpu.memory_space<semaphore_mem>>)
    %dma_wait3A = arith.constant 0 : i32
    %dma_wait3A_48 = arith.constant 0 : i32
    %dma_wait3A_49 = tpu.memref_slice %arg6[%dma_wait3A, %dma_wait3A_48] : memref<2x8192xi32, #tpu.memory_space<vmem>> -> memref<1x8192xi32, #tpu.memory_space<vmem>>
    %dma_wait3A_50 = tpu.memref_squeeze %dma_wait3A_49 : memref<1x8192xi32, #tpu.memory_space<vmem>> -> memref<8192xi32, #tpu.memory_space<vmem>>
    %dma_wait3A_51 = arith.constant 0 : i32
    %dma_wait3A_52 = tpu.memref_slice %arg2[%add3A_10, %dma_wait3A_51] : memref<128x8192xi32, #tpu.memory_space<hbm>> -> memref<1x8192xi32, #tpu.memory_space<hbm>>
    %dma_wait3A_53 = tpu.memref_squeeze %dma_wait3A_52 : memref<1x8192xi32, #tpu.memory_space<hbm>> -> memref<8192xi32, #tpu.memory_space<hbm>>
    %dma_wait3A_54 = arith.constant 0 : i32
    %dma_wait3A_55 = tpu.memref_slice %arg6[%dma_wait3A, %dma_wait3A_54] : memref<2x8192xi32, #tpu.memory_space<vmem>> -> memref<1x8192xi32, #tpu.memory_space<vmem>>
    %dma_wait3A_56 = tpu.memref_squeeze %dma_wait3A_55 : memref<1x8192xi32, #tpu.memory_space<vmem>> -> memref<8192xi32, #tpu.memory_space<vmem>>
    %dma_wait3A_57 = arith.constant 0 : i32
    %dma_wait3A_58 = tpu.memref_slice %arg2[%add3A_10, %dma_wait3A_57] : memref<128x8192xi32, #tpu.memory_space<hbm>> -> memref<1x8192xi32, #tpu.memory_space<hbm>>
    %dma_wait3A_59 = tpu.memref_squeeze %dma_wait3A_58 : memref<1x8192xi32, #tpu.memory_space<hbm>> -> memref<8192xi32, #tpu.memory_space<hbm>>
    tpu.wait_dma2 semaphore(%arg11 : memref<!tpu.dma_semaphore, #tpu.memory_space<semaphore_mem>>) src(%dma_wait3A_59 : memref<8192xi32, #tpu.memory_space<hbm>>) dst(%dma_wait3A_56 : memref<8192xi32, #tpu.memory_space<vmem>>)
    %swap3A = arith.constant 0 : index
    %swap3A_60 = tpu.vector_load %arg9[%swap3A] {strides = array<i32>} : memref<128xf32, #tpu.memory_space<vmem>>, vector<16xf32>,
    tpu.vector_store %arg9[%swap3A], %broadcast_in_dim3A_6 {strides = array<i32>} : memref<128xf32, #tpu.memory_space<vmem>>, vector<16xf32>,
    %swap3A_61 = arith.constant 16 : index
    %swap3A_62 = tpu.vector_load %arg9[%swap3A_61] {strides = array<i32>} : memref<128xf32, #tpu.memory_space<vmem>>, vector<16xf32>,
    tpu.vector_store %arg9[%swap3A_61], %broadcast_in_dim3A_6 {strides = array<i32>} : memref<128xf32, #tpu.memory_space<vmem>>, vector<16xf32>,
    %swap3A_63 = arith.constant 32 : index
    %swap3A_64 = tpu.vector_load %arg9[%swap3A_63] {strides = array<i32>} : memref<128xf32, #tpu.memory_space<vmem>>, vector<16xf32>,
    tpu.vector_store %arg9[%swap3A_63], %broadcast_in_dim3A_6 {strides = array<i32>} : memref<128xf32, #tpu.memory_space<vmem>>, vector<16xf32>,
    %swap3A_65 = arith.constant 48 : index
    %swap3A_66 = tpu.vector_load %arg9[%swap3A_65] {strides = array<i32>} : memref<128xf32, #tpu.memory_space<vmem>>, vector<16xf32>,
    tpu.vector_store %arg9[%swap3A_65], %broadcast_in_dim3A_6 {strides = array<i32>} : memref<128xf32, #tpu.memory_space<vmem>>, vector<16xf32>,
    %swap3A_67 = arith.constant 64 : index
    %swap3A_68 = tpu.vector_load %arg9[%swap3A_67] {strides = array<i32>} : memref<128xf32, #tpu.memory_space<vmem>>, vector<16xf32>,
    tpu.vector_store %arg9[%swap3A_67], %broadcast_in_dim3A_6 {strides = array<i32>} : memref<128xf32, #tpu.memory_space<vmem>>, vector<16xf32>,
    %swap3A_69 = arith.constant 80 : index
    %swap3A_70 = tpu.vector_load %arg9[%swap3A_69] {strides = array<i32>} : memref<128xf32, #tpu.memory_space<vmem>>, vector<16xf32>,
    tpu.vector_store %arg9[%swap3A_69], %broadcast_in_dim3A_6 {strides = array<i32>} : memref<128xf32, #tpu.memory_space<vmem>>, vector<16xf32>,
    %swap3A_71 = arith.constant 96 : index
    %swap3A_72 = tpu.vector_load %arg9[%swap3A_71] {strides = array<i32>} : memref<128xf32, #tpu.memory_space<vmem>>, vector<16xf32>,
    tpu.vector_store %arg9[%swap3A_71], %broadcast_in_dim3A_6 {strides = array<i32>} : memref<128xf32, #tpu.memory_space<vmem>>, vector<16xf32>,
    %swap3A_73 = arith.constant 112 : index
    %swap3A_74 = tpu.vector_load %arg9[%swap3A_73] {strides = array<i32>} : memref<128xf32, #tpu.memory_space<vmem>>, vector<16xf32>,
    tpu.vector_store %arg9[%swap3A_73], %broadcast_in_dim3A_6 {strides = array<i32>} : memref<128xf32, #tpu.memory_space<vmem>>, vector<16xf32>,
    %parallel_loop3A = arith.constant 0 : i32
    %parallel_loop3A_75 = arith.constant 512 : i32
    %parallel_loop3A_76 = arith.constant 1 : i32
    scf.for %parallel_loop3A_303 = %parallel_loop3A to %parallel_loop3A_75 step %parallel_loop3A_76  : i32 {
      %parallel_loop3A_304 = arith.constant 16 : i32
      %parallel_loop3A_305 = arith.muli %parallel_loop3A_303, %parallel_loop3A_304 : i32
      %parallel_loop3A_306 = arith.constant 0 : i32
      %parallel_loop3A_307 = arith.index_cast %parallel_loop3A_306 : i32 to index
      %parallel_loop3A_308 = arith.index_cast %parallel_loop3A_305 : i32 to index
      %parallel_loop3A_309 = tpu.vector_load %arg6[%parallel_loop3A_307, %parallel_loop3A_308] {strides = array<i32>} : memref<2x8192xi32, #tpu.memory_space<vmem>>, vector<16xi32>,
      %parallel_loop3A_310 = tpu.vector_load_idx %arg8[%parallel_loop3A_309] : memref<128xf32, #tpu.memory_space<vmem>>[vector<16xi32>], vector<16xf32>,
      %parallel_loop3A_311 = arith.constant 0 : i32
      %parallel_loop3A_312 = arith.index_cast %parallel_loop3A_311 : i32 to index
      %parallel_loop3A_313 = arith.index_cast %parallel_loop3A_305 : i32 to index
      %parallel_loop3A_314 = tpu.vector_load %arg7[%parallel_loop3A_312, %parallel_loop3A_313] {strides = array<i32>} : memref<2x8192xf32, #tpu.memory_space<vmem>>, vector<16xf32>,
      tpu.vector_store %arg7[%parallel_loop3A_312, %parallel_loop3A_313], %parallel_loop3A_310 {strides = array<i32>} : memref<2x8192xf32, #tpu.memory_space<vmem>>, vector<16xf32>,
      tpu.vector_store_idx %arg9[%parallel_loop3A_309], %broadcast_in_dim3A_4 {add = true} : memref<128xf32, #tpu.memory_space<vmem>>[vector<16xi32>], vector<16xf32>,
    } {sc.loop_unroll_factor = 16 : i64, sc.parallel_access}
    %dma_start3A_77 = arith.constant 0 : i32
    %dma_start3A_78 = arith.constant 0 : i32
    %dma_start3A_79 = tpu.memref_slice %arg7[%dma_start3A_77, %dma_start3A_78] : memref<2x8192xf32, #tpu.memory_space<vmem>> -> memref<1x8192xf32, #tpu.memory_space<vmem>>
    %dma_start3A_80 = tpu.memref_squeeze %dma_start3A_79 : memref<1x8192xf32, #tpu.memory_space<vmem>> -> memref<8192xf32, #tpu.memory_space<vmem>>
    %dma_start3A_81 = arith.constant 0 : i32
    %dma_start3A_82 = tpu.memref_slice %arg4[%add3A_10, %dma_start3A_81] : memref<128x8192xf32, #tpu.memory_space<hbm>> -> memref<1x8192xf32, #tpu.memory_space<hbm>>
    %dma_start3A_83 = tpu.memref_squeeze %dma_start3A_82 : memref<1x8192xf32, #tpu.memory_space<hbm>> -> memref<8192xf32, #tpu.memory_space<hbm>>
    %dma_start3A_84 = arith.constant 0 : i32
    %dma_start3A_85 = tpu.memref_slice %arg4[%add3A_10, %dma_start3A_84] : memref<128x8192xf32, #tpu.memory_space<hbm>> -> memref<1x8192xf32, #tpu.memory_space<hbm>>
    %dma_start3A_86 = tpu.memref_squeeze %dma_start3A_85 : memref<1x8192xf32, #tpu.memory_space<hbm>> -> memref<8192xf32, #tpu.memory_space<hbm>>
    %dma_start3A_87 = arith.constant 0 : i32
    %dma_start3A_88 = tpu.memref_slice %arg7[%dma_start3A_77, %dma_start3A_87] : memref<2x8192xf32, #tpu.memory_space<vmem>> -> memref<1x8192xf32, #tpu.memory_space<vmem>>
    %dma_start3A_89 = tpu.memref_squeeze %dma_start3A_88 : memref<1x8192xf32, #tpu.memory_space<vmem>> -> memref<8192xf32, #tpu.memory_space<vmem>>
    tpu.enqueue_dma source(%dma_start3A_89 : memref<8192xf32, #tpu.memory_space<vmem>>) target(%dma_start3A_86 : memref<8192xf32, #tpu.memory_space<hbm>>) target_semaphore(%arg13 : memref<!tpu.dma_semaphore, #tpu.memory_space<semaphore_mem>>)
    "tpu.region"() ({
      %run_scoped3A = tpu.sem_alloc : memref<!tpu.dma_semaphore, #tpu.memory_space<semaphore_mem>>
      %dma_start3A_303 = arith.constant 0 : i32
      %dma_start3A_304 = tpu.memref_slice %arg5[%add3A_10, %dma_start3A_303] : memref<128x128xf32, #tpu.memory_space<hbm>> -> memref<1x128xf32, #tpu.memory_space<hbm>>
      %dma_start3A_305 = tpu.memref_squeeze %dma_start3A_304 : memref<1x128xf32, #tpu.memory_space<hbm>> -> memref<128xf32, #tpu.memory_space<hbm>>
      %dma_start3A_306 = arith.constant 0 : i32
      %dma_start3A_307 = tpu.memref_slice %arg5[%add3A_10, %dma_start3A_306] : memref<128x128xf32, #tpu.memory_space<hbm>> -> memref<1x128xf32, #tpu.memory_space<hbm>>
      %dma_start3A_308 = tpu.memref_squeeze %dma_start3A_307 : memref<1x128xf32, #tpu.memory_space<hbm>> -> memref<128xf32, #tpu.memory_space<hbm>>
      tpu.enqueue_dma source(%arg9 : memref<128xf32, #tpu.memory_space<vmem>>) target(%dma_start3A_308 : memref<128xf32, #tpu.memory_space<hbm>>) target_semaphore(%run_scoped3A : memref<!tpu.dma_semaphore, #tpu.memory_space<semaphore_mem>>)
      %dma_wait3A_309 = arith.constant 0 : i32
      %dma_wait3A_310 = tpu.memref_slice %arg5[%add3A_10, %dma_wait3A_309] : memref<128x128xf32, #tpu.memory_space<hbm>> -> memref<1x128xf32, #tpu.memory_space<hbm>>
      %dma_wait3A_311 = tpu.memref_squeeze %dma_wait3A_310 : memref<1x128xf32, #tpu.memory_space<hbm>> -> memref<128xf32, #tpu.memory_space<hbm>>
      %dma_wait3A_312 = arith.constant 0 : i32
      %dma_wait3A_313 = tpu.memref_slice %arg5[%add3A_10, %dma_wait3A_312] : memref<128x128xf32, #tpu.memory_space<hbm>> -> memref<1x128xf32, #tpu.memory_space<hbm>>
      %dma_wait3A_314 = tpu.memref_squeeze %dma_wait3A_313 : memref<1x128xf32, #tpu.memory_space<hbm>> -> memref<128xf32, #tpu.memory_space<hbm>>
      tpu.wait_dma2 semaphore(%run_scoped3A : memref<!tpu.dma_semaphore, #tpu.memory_space<semaphore_mem>>) src(%arg9 : memref<128xf32, #tpu.memory_space<vmem>>) dst(%dma_wait3A_314 : memref<128xf32, #tpu.memory_space<hbm>>)
      tpu.yield
    }) : () -> ()
    %dma_start3A_90 = arith.constant 0 : i32
    %dma_start3A_91 = arith.constant 0 : i32
    %dma_start3A_92 = tpu.memref_slice %arg6[%dma_start3A_90, %dma_start3A_91] : memref<2x8192xi32, #tpu.memory_space<vmem>> -> memref<1x8192xi32, #tpu.memory_space<vmem>>
    %dma_start3A_93 = tpu.memref_squeeze %dma_start3A_92 : memref<1x8192xi32, #tpu.memory_space<vmem>> -> memref<8192xi32, #tpu.memory_space<vmem>>
    %dma_start3A_94 = arith.constant 0 : i32
    %dma_start3A_95 = tpu.memref_slice %arg2[%add3A_18, %dma_start3A_94] : memref<128x8192xi32, #tpu.memory_space<hbm>> -> memref<1x8192xi32, #tpu.memory_space<hbm>>
    %dma_start3A_96 = tpu.memref_squeeze %dma_start3A_95 : memref<1x8192xi32, #tpu.memory_space<hbm>> -> memref<8192xi32, #tpu.memory_space<hbm>>
    %dma_start3A_97 = arith.constant 0 : i32
    %dma_start3A_98 = tpu.memref_slice %arg6[%dma_start3A_90, %dma_start3A_97] : memref<2x8192xi32, #tpu.memory_space<vmem>> -> memref<1x8192xi32, #tpu.memory_space<vmem>>
    %dma_start3A_99 = tpu.memref_squeeze %dma_start3A_98 : memref<1x8192xi32, #tpu.memory_space<vmem>> -> memref<8192xi32, #tpu.memory_space<vmem>>
    %dma_start3A_100 = arith.constant 0 : i32
    %dma_start3A_101 = tpu.memref_slice %arg2[%add3A_18, %dma_start3A_100] : memref<128x8192xi32, #tpu.memory_space<hbm>> -> memref<1x8192xi32, #tpu.memory_space<hbm>>
    %dma_start3A_102 = tpu.memref_squeeze %dma_start3A_101 : memref<1x8192xi32, #tpu.memory_space<hbm>> -> memref<8192xi32, #tpu.memory_space<hbm>>
    tpu.enqueue_dma source(%dma_start3A_102 : memref<8192xi32, #tpu.memory_space<hbm>>) target(%dma_start3A_99 : memref<8192xi32, #tpu.memory_space<vmem>>) target_semaphore(%arg11 : memref<!tpu.dma_semaphore, #tpu.memory_space<semaphore_mem>>)
    %dma_wait3A_103 = arith.constant 1 : i32
    %dma_wait3A_104 = arith.constant 0 : i32
    %dma_wait3A_105 = tpu.memref_slice %arg6[%dma_wait3A_103, %dma_wait3A_104] : memref<2x8192xi32, #tpu.memory_space<vmem>> -> memref<1x8192xi32, #tpu.memory_space<vmem>>
    %dma_wait3A_106 = tpu.memref_squeeze %dma_wait3A_105 : memref<1x8192xi32, #tpu.memory_space<vmem>> -> memref<8192xi32, #tpu.memory_space<vmem>>
    %dma_wait3A_107 = arith.constant 0 : i32
    %dma_wait3A_108 = tpu.memref_slice %arg2[%add3A_14, %dma_wait3A_107] : memref<128x8192xi32, #tpu.memory_space<hbm>> -> memref<1x8192xi32, #tpu.memory_space<hbm>>
    %dma_wait3A_109 = tpu.memref_squeeze %dma_wait3A_108 : memref<1x8192xi32, #tpu.memory_space<hbm>> -> memref<8192xi32, #tpu.memory_space<hbm>>
    %dma_wait3A_110 = arith.constant 0 : i32
    %dma_wait3A_111 = tpu.memref_slice %arg6[%dma_wait3A_103, %dma_wait3A_110] : memref<2x8192xi32, #tpu.memory_space<vmem>> -> memref<1x8192xi32, #tpu.memory_space<vmem>>
    %dma_wait3A_112 = tpu.memref_squeeze %dma_wait3A_111 : memref<1x8192xi32, #tpu.memory_space<vmem>> -> memref<8192xi32, #tpu.memory_space<vmem>>
    %dma_wait3A_113 = arith.constant 0 : i32
    %dma_wait3A_114 = tpu.memref_slice %arg2[%add3A_14, %dma_wait3A_113] : memref<128x8192xi32, #tpu.memory_space<hbm>> -> memref<1x8192xi32, #tpu.memory_space<hbm>>
    %dma_wait3A_115 = tpu.memref_squeeze %dma_wait3A_114 : memref<1x8192xi32, #tpu.memory_space<hbm>> -> memref<8192xi32, #tpu.memory_space<hbm>>
    tpu.wait_dma2 semaphore(%arg12 : memref<!tpu.dma_semaphore, #tpu.memory_space<semaphore_mem>>) src(%dma_wait3A_115 : memref<8192xi32, #tpu.memory_space<hbm>>) dst(%dma_wait3A_112 : memref<8192xi32, #tpu.memory_space<vmem>>)
    %swap3A_116 = arith.constant 0 : index
    %swap3A_117 = tpu.vector_load %arg9[%swap3A_116] {strides = array<i32>} : memref<128xf32, #tpu.memory_space<vmem>>, vector<16xf32>,
    tpu.vector_store %arg9[%swap3A_116], %broadcast_in_dim3A_6 {strides = array<i32>} : memref<128xf32, #tpu.memory_space<vmem>>, vector<16xf32>,
    %swap3A_118 = arith.constant 16 : index
    %swap3A_119 = tpu.vector_load %arg9[%swap3A_118] {strides = array<i32>} : memref<128xf32, #tpu.memory_space<vmem>>, vector<16xf32>,
    tpu.vector_store %arg9[%swap3A_118], %broadcast_in_dim3A_6 {strides = array<i32>} : memref<128xf32, #tpu.memory_space<vmem>>, vector<16xf32>,
    %swap3A_120 = arith.constant 32 : index
    %swap3A_121 = tpu.vector_load %arg9[%swap3A_120] {strides = array<i32>} : memref<128xf32, #tpu.memory_space<vmem>>, vector<16xf32>,
    tpu.vector_store %arg9[%swap3A_120], %broadcast_in_dim3A_6 {strides = array<i32>} : memref<128xf32, #tpu.memory_space<vmem>>, vector<16xf32>,
    %swap3A_122 = arith.constant 48 : index
    %swap3A_123 = tpu.vector_load %arg9[%swap3A_122] {strides = array<i32>} : memref<128xf32, #tpu.memory_space<vmem>>, vector<16xf32>,
    tpu.vector_store %arg9[%swap3A_122], %broadcast_in_dim3A_6 {strides = array<i32>} : memref<128xf32, #tpu.memory_space<vmem>>, vector<16xf32>,
    %swap3A_124 = arith.constant 64 : index
    %swap3A_125 = tpu.vector_load %arg9[%swap3A_124] {strides = array<i32>} : memref<128xf32, #tpu.memory_space<vmem>>, vector<16xf32>,
    tpu.vector_store %arg9[%swap3A_124], %broadcast_in_dim3A_6 {strides = array<i32>} : memref<128xf32, #tpu.memory_space<vmem>>, vector<16xf32>,
    %swap3A_126 = arith.constant 80 : index
    %swap3A_127 = tpu.vector_load %arg9[%swap3A_126] {strides = array<i32>} : memref<128xf32, #tpu.memory_space<vmem>>, vector<16xf32>,
    tpu.vector_store %arg9[%swap3A_126], %broadcast_in_dim3A_6 {strides = array<i32>} : memref<128xf32, #tpu.memory_space<vmem>>, vector<16xf32>,
    %swap3A_128 = arith.constant 96 : index
    %swap3A_129 = tpu.vector_load %arg9[%swap3A_128] {strides = array<i32>} : memref<128xf32, #tpu.memory_space<vmem>>, vector<16xf32>,
    tpu.vector_store %arg9[%swap3A_128], %broadcast_in_dim3A_6 {strides = array<i32>} : memref<128xf32, #tpu.memory_space<vmem>>, vector<16xf32>,
    %swap3A_130 = arith.constant 112 : index
    %swap3A_131 = tpu.vector_load %arg9[%swap3A_130] {strides = array<i32>} : memref<128xf32, #tpu.memory_space<vmem>>, vector<16xf32>,
    tpu.vector_store %arg9[%swap3A_130], %broadcast_in_dim3A_6 {strides = array<i32>} : memref<128xf32, #tpu.memory_space<vmem>>, vector<16xf32>,
    %parallel_loop3A_132 = arith.constant 0 : i32
    %parallel_loop3A_133 = arith.constant 512 : i32
    %parallel_loop3A_134 = arith.constant 1 : i32
    scf.for %parallel_loop3A_303 = %parallel_loop3A_132 to %parallel_loop3A_133 step %parallel_loop3A_134  : i32 {
      %parallel_loop3A_304 = arith.constant 16 : i32
      %parallel_loop3A_305 = arith.muli %parallel_loop3A_303, %parallel_loop3A_304 : i32
      %parallel_loop3A_306 = arith.constant 1 : i32
      %parallel_loop3A_307 = arith.index_cast %parallel_loop3A_306 : i32 to index
      %parallel_loop3A_308 = arith.index_cast %parallel_loop3A_305 : i32 to index
      %parallel_loop3A_309 = tpu.vector_load %arg6[%parallel_loop3A_307, %parallel_loop3A_308] {strides = array<i32>} : memref<2x8192xi32, #tpu.memory_space<vmem>>, vector<16xi32>,
      %parallel_loop3A_310 = tpu.vector_load_idx %arg8[%parallel_loop3A_309] : memref<128xf32, #tpu.memory_space<vmem>>[vector<16xi32>], vector<16xf32>,
      %parallel_loop3A_311 = arith.constant 1 : i32
      %parallel_loop3A_312 = arith.index_cast %parallel_loop3A_311 : i32 to index
      %parallel_loop3A_313 = arith.index_cast %parallel_loop3A_305 : i32 to index
      %parallel_loop3A_314 = tpu.vector_load %arg7[%parallel_loop3A_312, %parallel_loop3A_313] {strides = array<i32>} : memref<2x8192xf32, #tpu.memory_space<vmem>>, vector<16xf32>,
      tpu.vector_store %arg7[%parallel_loop3A_312, %parallel_loop3A_313], %parallel_loop3A_310 {strides = array<i32>} : memref<2x8192xf32, #tpu.memory_space<vmem>>, vector<16xf32>,
      tpu.vector_store_idx %arg9[%parallel_loop3A_309], %broadcast_in_dim3A_4 {add = true} : memref<128xf32, #tpu.memory_space<vmem>>[vector<16xi32>], vector<16xf32>,
    } {sc.loop_unroll_factor = 16 : i64, sc.parallel_access}
    %dma_start3A_135 = arith.constant 1 : i32
    %dma_start3A_136 = arith.constant 0 : i32
    %dma_start3A_137 = tpu.memref_slice %arg7[%dma_start3A_135, %dma_start3A_136] : memref<2x8192xf32, #tpu.memory_space<vmem>> -> memref<1x8192xf32, #tpu.memory_space<vmem>>
    %dma_start3A_138 = tpu.memref_squeeze %dma_start3A_137 : memref<1x8192xf32, #tpu.memory_space<vmem>> -> memref<8192xf32, #tpu.memory_space<vmem>>
    %dma_start3A_139 = arith.constant 0 : i32
    %dma_start3A_140 = tpu.memref_slice %arg4[%add3A_14, %dma_start3A_139] : memref<128x8192xf32, #tpu.memory_space<hbm>> -> memref<1x8192xf32, #tpu.memory_space<hbm>>
    %dma_start3A_141 = tpu.memref_squeeze %dma_start3A_140 : memref<1x8192xf32, #tpu.memory_space<hbm>> -> memref<8192xf32, #tpu.memory_space<hbm>>
    %dma_start3A_142 = arith.constant 0 : i32
    %dma_start3A_143 = tpu.memref_slice %arg4[%add3A_14, %dma_start3A_142] : memref<128x8192xf32, #tpu.memory_space<hbm>> -> memref<1x8192xf32, #tpu.memory_space<hbm>>
    %dma_start3A_144 = tpu.memref_squeeze %dma_start3A_143 : memref<1x8192xf32, #tpu.memory_space<hbm>> -> memref<8192xf32, #tpu.memory_space<hbm>>
    %dma_start3A_145 = arith.constant 0 : i32
    %dma_start3A_146 = tpu.memref_slice %arg7[%dma_start3A_135, %dma_start3A_145] : memref<2x8192xf32, #tpu.memory_space<vmem>> -> memref<1x8192xf32, #tpu.memory_space<vmem>>
    %dma_start3A_147 = tpu.memref_squeeze %dma_start3A_146 : memref<1x8192xf32, #tpu.memory_space<vmem>> -> memref<8192xf32, #tpu.memory_space<vmem>>
    tpu.enqueue_dma source(%dma_start3A_147 : memref<8192xf32, #tpu.memory_space<vmem>>) target(%dma_start3A_144 : memref<8192xf32, #tpu.memory_space<hbm>>) target_semaphore(%arg14 : memref<!tpu.dma_semaphore, #tpu.memory_space<semaphore_mem>>)
    "tpu.region"() ({
      %run_scoped3A = tpu.sem_alloc : memref<!tpu.dma_semaphore, #tpu.memory_space<semaphore_mem>>
      %dma_start3A_303 = arith.constant 0 : i32
      %dma_start3A_304 = tpu.memref_slice %arg5[%add3A_14, %dma_start3A_303] : memref<128x128xf32, #tpu.memory_space<hbm>> -> memref<1x128xf32, #tpu.memory_space<hbm>>
      %dma_start3A_305 = tpu.memref_squeeze %dma_start3A_304 : memref<1x128xf32, #tpu.memory_space<hbm>> -> memref<128xf32, #tpu.memory_space<hbm>>
      %dma_start3A_306 = arith.constant 0 : i32
      %dma_start3A_307 = tpu.memref_slice %arg5[%add3A_14, %dma_start3A_306] : memref<128x128xf32, #tpu.memory_space<hbm>> -> memref<1x128xf32, #tpu.memory_space<hbm>>
      %dma_start3A_308 = tpu.memref_squeeze %dma_start3A_307 : memref<1x128xf32, #tpu.memory_space<hbm>> -> memref<128xf32, #tpu.memory_space<hbm>>
      tpu.enqueue_dma source(%arg9 : memref<128xf32, #tpu.memory_space<vmem>>) target(%dma_start3A_308 : memref<128xf32, #tpu.memory_space<hbm>>) target_semaphore(%run_scoped3A : memref<!tpu.dma_semaphore, #tpu.memory_space<semaphore_mem>>)
      %dma_wait3A_309 = arith.constant 0 : i32
      %dma_wait3A_310 = tpu.memref_slice %arg5[%add3A_14, %dma_wait3A_309] : memref<128x128xf32, #tpu.memory_space<hbm>> -> memref<1x128xf32, #tpu.memory_space<hbm>>
      %dma_wait3A_311 = tpu.memref_squeeze %dma_wait3A_310 : memref<1x128xf32, #tpu.memory_space<hbm>> -> memref<128xf32, #tpu.memory_space<hbm>>
      %dma_wait3A_312 = arith.constant 0 : i32
      %dma_wait3A_313 = tpu.memref_slice %arg5[%add3A_14, %dma_wait3A_312] : memref<128x128xf32, #tpu.memory_space<hbm>> -> memref<1x128xf32, #tpu.memory_space<hbm>>
      %dma_wait3A_314 = tpu.memref_squeeze %dma_wait3A_313 : memref<1x128xf32, #tpu.memory_space<hbm>> -> memref<128xf32, #tpu.memory_space<hbm>>
      tpu.wait_dma2 semaphore(%run_scoped3A : memref<!tpu.dma_semaphore, #tpu.memory_space<semaphore_mem>>) src(%arg9 : memref<128xf32, #tpu.memory_space<vmem>>) dst(%dma_wait3A_314 : memref<128xf32, #tpu.memory_space<hbm>>)
      tpu.yield
    }) : () -> ()
    %dma_start3A_148 = arith.constant 1 : i32
    %dma_start3A_149 = arith.constant 0 : i32
    %dma_start3A_150 = tpu.memref_slice %arg6[%dma_start3A_148, %dma_start3A_149] : memref<2x8192xi32, #tpu.memory_space<vmem>> -> memref<1x8192xi32, #tpu.memory_space<vmem>>
    %dma_start3A_151 = tpu.memref_squeeze %dma_start3A_150 : memref<1x8192xi32, #tpu.memory_space<vmem>> -> memref<8192xi32, #tpu.memory_space<vmem>>
    %dma_start3A_152 = arith.constant 0 : i32
    %dma_start3A_153 = tpu.memref_slice %arg2[%add3A_22, %dma_start3A_152] : memref<128x8192xi32, #tpu.memory_space<hbm>> -> memref<1x8192xi32, #tpu.memory_space<hbm>>
    %dma_start3A_154 = tpu.memref_squeeze %dma_start3A_153 : memref<1x8192xi32, #tpu.memory_space<hbm>> -> memref<8192xi32, #tpu.memory_space<hbm>>
    %dma_start3A_155 = arith.constant 0 : i32
    %dma_start3A_156 = tpu.memref_slice %arg6[%dma_start3A_148, %dma_start3A_155] : memref<2x8192xi32, #tpu.memory_space<vmem>> -> memref<1x8192xi32, #tpu.memory_space<vmem>>
    %dma_start3A_157 = tpu.memref_squeeze %dma_start3A_156 : memref<1x8192xi32, #tpu.memory_space<vmem>> -> memref<8192xi32, #tpu.memory_space<vmem>>
    %dma_start3A_158 = arith.constant 0 : i32
    %dma_start3A_159 = tpu.memref_slice %arg2[%add3A_22, %dma_start3A_158] : memref<128x8192xi32, #tpu.memory_space<hbm>> -> memref<1x8192xi32, #tpu.memory_space<hbm>>
    %dma_start3A_160 = tpu.memref_squeeze %dma_start3A_159 : memref<1x8192xi32, #tpu.memory_space<hbm>> -> memref<8192xi32, #tpu.memory_space<hbm>>
    tpu.enqueue_dma source(%dma_start3A_160 : memref<8192xi32, #tpu.memory_space<hbm>>) target(%dma_start3A_157 : memref<8192xi32, #tpu.memory_space<vmem>>) target_semaphore(%arg12 : memref<!tpu.dma_semaphore, #tpu.memory_space<semaphore_mem>>)
    %dma_wait3A_161 = arith.constant 0 : i32
    %dma_wait3A_162 = arith.constant 0 : i32
    %dma_wait3A_163 = tpu.memref_slice %arg6[%dma_wait3A_161, %dma_wait3A_162] : memref<2x8192xi32, #tpu.memory_space<vmem>> -> memref<1x8192xi32, #tpu.memory_space<vmem>>
    %dma_wait3A_164 = tpu.memref_squeeze %dma_wait3A_163 : memref<1x8192xi32, #tpu.memory_space<vmem>> -> memref<8192xi32, #tpu.memory_space<vmem>>
    %dma_wait3A_165 = arith.constant 0 : i32
    %dma_wait3A_166 = tpu.memref_slice %arg2[%add3A_18, %dma_wait3A_165] : memref<128x8192xi32, #tpu.memory_space<hbm>> -> memref<1x8192xi32, #tpu.memory_space<hbm>>
    %dma_wait3A_167 = tpu.memref_squeeze %dma_wait3A_166 : memref<1x8192xi32, #tpu.memory_space<hbm>> -> memref<8192xi32, #tpu.memory_space<hbm>>
    %dma_wait3A_168 = arith.constant 0 : i32
    %dma_wait3A_169 = tpu.memref_slice %arg6[%dma_wait3A_161, %dma_wait3A_168] : memref<2x8192xi32, #tpu.memory_space<vmem>> -> memref<1x8192xi32, #tpu.memory_space<vmem>>
    %dma_wait3A_170 = tpu.memref_squeeze %dma_wait3A_169 : memref<1x8192xi32, #tpu.memory_space<vmem>> -> memref<8192xi32, #tpu.memory_space<vmem>>
    %dma_wait3A_171 = arith.constant 0 : i32
    %dma_wait3A_172 = tpu.memref_slice %arg2[%add3A_18, %dma_wait3A_171] : memref<128x8192xi32, #tpu.memory_space<hbm>> -> memref<1x8192xi32, #tpu.memory_space<hbm>>
    %dma_wait3A_173 = tpu.memref_squeeze %dma_wait3A_172 : memref<1x8192xi32, #tpu.memory_space<hbm>> -> memref<8192xi32, #tpu.memory_space<hbm>>
    tpu.wait_dma2 semaphore(%arg11 : memref<!tpu.dma_semaphore, #tpu.memory_space<semaphore_mem>>) src(%dma_wait3A_173 : memref<8192xi32, #tpu.memory_space<hbm>>) dst(%dma_wait3A_170 : memref<8192xi32, #tpu.memory_space<vmem>>)
    %dma_wait3A_174 = arith.constant 0 : i32
    %dma_wait3A_175 = arith.constant 0 : i32
    %dma_wait3A_176 = tpu.memref_slice %arg7[%dma_wait3A_174, %dma_wait3A_175] : memref<2x8192xf32, #tpu.memory_space<vmem>> -> memref<1x8192xf32, #tpu.memory_space<vmem>>
    %dma_wait3A_177 = tpu.memref_squeeze %dma_wait3A_176 : memref<1x8192xf32, #tpu.memory_space<vmem>> -> memref<8192xf32, #tpu.memory_space<vmem>>
    %dma_wait3A_178 = arith.constant 0 : i32
    %dma_wait3A_179 = tpu.memref_slice %arg4[%add3A_10, %dma_wait3A_178] : memref<128x8192xf32, #tpu.memory_space<hbm>> -> memref<1x8192xf32, #tpu.memory_space<hbm>>
    %dma_wait3A_180 = tpu.memref_squeeze %dma_wait3A_179 : memref<1x8192xf32, #tpu.memory_space<hbm>> -> memref<8192xf32, #tpu.memory_space<hbm>>
    %dma_wait3A_181 = arith.constant 0 : i32
    %dma_wait3A_182 = tpu.memref_slice %arg4[%add3A_10, %dma_wait3A_181] : memref<128x8192xf32, #tpu.memory_space<hbm>> -> memref<1x8192xf32, #tpu.memory_space<hbm>>
    %dma_wait3A_183 = tpu.memref_squeeze %dma_wait3A_182 : memref<1x8192xf32, #tpu.memory_space<hbm>> -> memref<8192xf32, #tpu.memory_space<hbm>>
    %dma_wait3A_184 = arith.constant 0 : i32
    %dma_wait3A_185 = tpu.memref_slice %arg7[%dma_wait3A_174, %dma_wait3A_184] : memref<2x8192xf32, #tpu.memory_space<vmem>> -> memref<1x8192xf32, #tpu.memory_space<vmem>>
    %dma_wait3A_186 = tpu.memref_squeeze %dma_wait3A_185 : memref<1x8192xf32, #tpu.memory_space<vmem>> -> memref<8192xf32, #tpu.memory_space<vmem>>
    tpu.wait_dma2 semaphore(%arg13 : memref<!tpu.dma_semaphore, #tpu.memory_space<semaphore_mem>>) src(%dma_wait3A_186 : memref<8192xf32, #tpu.memory_space<vmem>>) dst(%dma_wait3A_183 : memref<8192xf32, #tpu.memory_space<hbm>>)
    %swap3A_187 = arith.constant 0 : index
    %swap3A_188 = tpu.vector_load %arg9[%swap3A_187] {strides = array<i32>} : memref<128xf32, #tpu.memory_space<vmem>>, vector<16xf32>,
    tpu.vector_store %arg9[%swap3A_187], %broadcast_in_dim3A_6 {strides = array<i32>} : memref<128xf32, #tpu.memory_space<vmem>>, vector<16xf32>,
    %swap3A_189 = arith.constant 16 : index
    %swap3A_190 = tpu.vector_load %arg9[%swap3A_189] {strides = array<i32>} : memref<128xf32, #tpu.memory_space<vmem>>, vector<16xf32>,
    tpu.vector_store %arg9[%swap3A_189], %broadcast_in_dim3A_6 {strides = array<i32>} : memref<128xf32, #tpu.memory_space<vmem>>, vector<16xf32>,
    %swap3A_191 = arith.constant 32 : index
    %swap3A_192 = tpu.vector_load %arg9[%swap3A_191] {strides = array<i32>} : memref<128xf32, #tpu.memory_space<vmem>>, vector<16xf32>,
    tpu.vector_store %arg9[%swap3A_191], %broadcast_in_dim3A_6 {strides = array<i32>} : memref<128xf32, #tpu.memory_space<vmem>>, vector<16xf32>,
    %swap3A_193 = arith.constant 48 : index
    %swap3A_194 = tpu.vector_load %arg9[%swap3A_193] {strides = array<i32>} : memref<128xf32, #tpu.memory_space<vmem>>, vector<16xf32>,
    tpu.vector_store %arg9[%swap3A_193], %broadcast_in_dim3A_6 {strides = array<i32>} : memref<128xf32, #tpu.memory_space<vmem>>, vector<16xf32>,
    %swap3A_195 = arith.constant 64 : index
    %swap3A_196 = tpu.vector_load %arg9[%swap3A_195] {strides = array<i32>} : memref<128xf32, #tpu.memory_space<vmem>>, vector<16xf32>,
    tpu.vector_store %arg9[%swap3A_195], %broadcast_in_dim3A_6 {strides = array<i32>} : memref<128xf32, #tpu.memory_space<vmem>>, vector<16xf32>,
    %swap3A_197 = arith.constant 80 : index
    %swap3A_198 = tpu.vector_load %arg9[%swap3A_197] {strides = array<i32>} : memref<128xf32, #tpu.memory_space<vmem>>, vector<16xf32>,
    tpu.vector_store %arg9[%swap3A_197], %broadcast_in_dim3A_6 {strides = array<i32>} : memref<128xf32, #tpu.memory_space<vmem>>, vector<16xf32>,
    %swap3A_199 = arith.constant 96 : index
    %swap3A_200 = tpu.vector_load %arg9[%swap3A_199] {strides = array<i32>} : memref<128xf32, #tpu.memory_space<vmem>>, vector<16xf32>,
    tpu.vector_store %arg9[%swap3A_199], %broadcast_in_dim3A_6 {strides = array<i32>} : memref<128xf32, #tpu.memory_space<vmem>>, vector<16xf32>,
    %swap3A_201 = arith.constant 112 : index
    %swap3A_202 = tpu.vector_load %arg9[%swap3A_201] {strides = array<i32>} : memref<128xf32, #tpu.memory_space<vmem>>, vector<16xf32>,
    tpu.vector_store %arg9[%swap3A_201], %broadcast_in_dim3A_6 {strides = array<i32>} : memref<128xf32, #tpu.memory_space<vmem>>, vector<16xf32>,
    %parallel_loop3A_203 = arith.constant 0 : i32
    %parallel_loop3A_204 = arith.constant 512 : i32
    %parallel_loop3A_205 = arith.constant 1 : i32
    scf.for %parallel_loop3A_303 = %parallel_loop3A_203 to %parallel_loop3A_204 step %parallel_loop3A_205  : i32 {
      %parallel_loop3A_304 = arith.constant 16 : i32
      %parallel_loop3A_305 = arith.muli %parallel_loop3A_303, %parallel_loop3A_304 : i32
      %parallel_loop3A_306 = arith.constant 0 : i32
      %parallel_loop3A_307 = arith.index_cast %parallel_loop3A_306 : i32 to index
      %parallel_loop3A_308 = arith.index_cast %parallel_loop3A_305 : i32 to index
      %parallel_loop3A_309 = tpu.vector_load %arg6[%parallel_loop3A_307, %parallel_loop3A_308] {strides = array<i32>} : memref<2x8192xi32, #tpu.memory_space<vmem>>, vector<16xi32>,
      %parallel_loop3A_310 = tpu.vector_load_idx %arg8[%parallel_loop3A_309] : memref<128xf32, #tpu.memory_space<vmem>>[vector<16xi32>], vector<16xf32>,
      %parallel_loop3A_311 = arith.constant 0 : i32
      %parallel_loop3A_312 = arith.index_cast %parallel_loop3A_311 : i32 to index
      %parallel_loop3A_313 = arith.index_cast %parallel_loop3A_305 : i32 to index
      %parallel_loop3A_314 = tpu.vector_load %arg7[%parallel_loop3A_312, %parallel_loop3A_313] {strides = array<i32>} : memref<2x8192xf32, #tpu.memory_space<vmem>>, vector<16xf32>,
      tpu.vector_store %arg7[%parallel_loop3A_312, %parallel_loop3A_313], %parallel_loop3A_310 {strides = array<i32>} : memref<2x8192xf32, #tpu.memory_space<vmem>>, vector<16xf32>,
      tpu.vector_store_idx %arg9[%parallel_loop3A_309], %broadcast_in_dim3A_4 {add = true} : memref<128xf32, #tpu.memory_space<vmem>>[vector<16xi32>], vector<16xf32>,
    } {sc.loop_unroll_factor = 16 : i64, sc.parallel_access}
    %dma_start3A_206 = arith.constant 0 : i32
    %dma_start3A_207 = arith.constant 0 : i32
    %dma_start3A_208 = tpu.memref_slice %arg7[%dma_start3A_206, %dma_start3A_207] : memref<2x8192xf32, #tpu.memory_space<vmem>> -> memref<1x8192xf32, #tpu.memory_space<vmem>>
    %dma_start3A_209 = tpu.memref_squeeze %dma_start3A_208 : memref<1x8192xf32, #tpu.memory_space<vmem>> -> memref<8192xf32, #tpu.memory_space<vmem>>
    %dma_start3A_210 = arith.constant 0 : i32
    %dma_start3A_211 = tpu.memref_slice %arg4[%add3A_18, %dma_start3A_210] : memref<128x8192xf32, #tpu.memory_space<hbm>> -> memref<1x8192xf32, #tpu.memory_space<hbm>>
    %dma_start3A_212 = tpu.memref_squeeze %dma_start3A_211 : memref<1x8192xf32, #tpu.memory_space<hbm>> -> memref<8192xf32, #tpu.memory_space<hbm>>
    %dma_start3A_213 = arith.constant 0 : i32
    %dma_start3A_214 = tpu.memref_slice %arg4[%add3A_18, %dma_start3A_213] : memref<128x8192xf32, #tpu.memory_space<hbm>> -> memref<1x8192xf32, #tpu.memory_space<hbm>>
    %dma_start3A_215 = tpu.memref_squeeze %dma_start3A_214 : memref<1x8192xf32, #tpu.memory_space<hbm>> -> memref<8192xf32, #tpu.memory_space<hbm>>
    %dma_start3A_216 = arith.constant 0 : i32
    %dma_start3A_217 = tpu.memref_slice %arg7[%dma_start3A_206, %dma_start3A_216] : memref<2x8192xf32, #tpu.memory_space<vmem>> -> memref<1x8192xf32, #tpu.memory_space<vmem>>
    %dma_start3A_218 = tpu.memref_squeeze %dma_start3A_217 : memref<1x8192xf32, #tpu.memory_space<vmem>> -> memref<8192xf32, #tpu.memory_space<vmem>>
    tpu.enqueue_dma source(%dma_start3A_218 : memref<8192xf32, #tpu.memory_space<vmem>>) target(%dma_start3A_215 : memref<8192xf32, #tpu.memory_space<hbm>>) target_semaphore(%arg13 : memref<!tpu.dma_semaphore, #tpu.memory_space<semaphore_mem>>)
    "tpu.region"() ({
      %run_scoped3A = tpu.sem_alloc : memref<!tpu.dma_semaphore, #tpu.memory_space<semaphore_mem>>
      %dma_start3A_303 = arith.constant 0 : i32
      %dma_start3A_304 = tpu.memref_slice %arg5[%add3A_18, %dma_start3A_303] : memref<128x128xf32, #tpu.memory_space<hbm>> -> memref<1x128xf32, #tpu.memory_space<hbm>>
      %dma_start3A_305 = tpu.memref_squeeze %dma_start3A_304 : memref<1x128xf32, #tpu.memory_space<hbm>> -> memref<128xf32, #tpu.memory_space<hbm>>
      %dma_start3A_306 = arith.constant 0 : i32
      %dma_start3A_307 = tpu.memref_slice %arg5[%add3A_18, %dma_start3A_306] : memref<128x128xf32, #tpu.memory_space<hbm>> -> memref<1x128xf32, #tpu.memory_space<hbm>>
      %dma_start3A_308 = tpu.memref_squeeze %dma_start3A_307 : memref<1x128xf32, #tpu.memory_space<hbm>> -> memref<128xf32, #tpu.memory_space<hbm>>
      tpu.enqueue_dma source(%arg9 : memref<128xf32, #tpu.memory_space<vmem>>) target(%dma_start3A_308 : memref<128xf32, #tpu.memory_space<hbm>>) target_semaphore(%run_scoped3A : memref<!tpu.dma_semaphore, #tpu.memory_space<semaphore_mem>>)
      %dma_wait3A_309 = arith.constant 0 : i32
      %dma_wait3A_310 = tpu.memref_slice %arg5[%add3A_18, %dma_wait3A_309] : memref<128x128xf32, #tpu.memory_space<hbm>> -> memref<1x128xf32, #tpu.memory_space<hbm>>
      %dma_wait3A_311 = tpu.memref_squeeze %dma_wait3A_310 : memref<1x128xf32, #tpu.memory_space<hbm>> -> memref<128xf32, #tpu.memory_space<hbm>>
      %dma_wait3A_312 = arith.constant 0 : i32
      %dma_wait3A_313 = tpu.memref_slice %arg5[%add3A_18, %dma_wait3A_312] : memref<128x128xf32, #tpu.memory_space<hbm>> -> memref<1x128xf32, #tpu.memory_space<hbm>>
      %dma_wait3A_314 = tpu.memref_squeeze %dma_wait3A_313 : memref<1x128xf32, #tpu.memory_space<hbm>> -> memref<128xf32, #tpu.memory_space<hbm>>
      tpu.wait_dma2 semaphore(%run_scoped3A : memref<!tpu.dma_semaphore, #tpu.memory_space<semaphore_mem>>) src(%arg9 : memref<128xf32, #tpu.memory_space<vmem>>) dst(%dma_wait3A_314 : memref<128xf32, #tpu.memory_space<hbm>>)
      tpu.yield
    }) : () -> ()
    %dma_wait3A_219 = arith.constant 1 : i32
    %dma_wait3A_220 = arith.constant 0 : i32
    %dma_wait3A_221 = tpu.memref_slice %arg6[%dma_wait3A_219, %dma_wait3A_220] : memref<2x8192xi32, #tpu.memory_space<vmem>> -> memref<1x8192xi32, #tpu.memory_space<vmem>>
    %dma_wait3A_222 = tpu.memref_squeeze %dma_wait3A_221 : memref<1x8192xi32, #tpu.memory_space<vmem>> -> memref<8192xi32, #tpu.memory_space<vmem>>
    %dma_wait3A_223 = arith.constant 0 : i32
    %dma_wait3A_224 = tpu.memref_slice %arg2[%add3A_22, %dma_wait3A_223] : memref<128x8192xi32, #tpu.memory_space<hbm>> -> memref<1x8192xi32, #tpu.memory_space<hbm>>
    %dma_wait3A_225 = tpu.memref_squeeze %dma_wait3A_224 : memref<1x8192xi32, #tpu.memory_space<hbm>> -> memref<8192xi32, #tpu.memory_space<hbm>>
    %dma_wait3A_226 = arith.constant 0 : i32
    %dma_wait3A_227 = tpu.memref_slice %arg6[%dma_wait3A_219, %dma_wait3A_226] : memref<2x8192xi32, #tpu.memory_space<vmem>> -> memref<1x8192xi32, #tpu.memory_space<vmem>>
    %dma_wait3A_228 = tpu.memref_squeeze %dma_wait3A_227 : memref<1x8192xi32, #tpu.memory_space<vmem>> -> memref<8192xi32, #tpu.memory_space<vmem>>
    %dma_wait3A_229 = arith.constant 0 : i32
    %dma_wait3A_230 = tpu.memref_slice %arg2[%add3A_22, %dma_wait3A_229] : memref<128x8192xi32, #tpu.memory_space<hbm>> -> memref<1x8192xi32, #tpu.memory_space<hbm>>
    %dma_wait3A_231 = tpu.memref_squeeze %dma_wait3A_230 : memref<1x8192xi32, #tpu.memory_space<hbm>> -> memref<8192xi32, #tpu.memory_space<hbm>>
    tpu.wait_dma2 semaphore(%arg12 : memref<!tpu.dma_semaphore, #tpu.memory_space<semaphore_mem>>) src(%dma_wait3A_231 : memref<8192xi32, #tpu.memory_space<hbm>>) dst(%dma_wait3A_228 : memref<8192xi32, #tpu.memory_space<vmem>>)
    %dma_wait3A_232 = arith.constant 1 : i32
    %dma_wait3A_233 = arith.constant 0 : i32
    %dma_wait3A_234 = tpu.memref_slice %arg7[%dma_wait3A_232, %dma_wait3A_233] : memref<2x8192xf32, #tpu.memory_space<vmem>> -> memref<1x8192xf32, #tpu.memory_space<vmem>>
    %dma_wait3A_235 = tpu.memref_squeeze %dma_wait3A_234 : memref<1x8192xf32, #tpu.memory_space<vmem>> -> memref<8192xf32, #tpu.memory_space<vmem>>
    %dma_wait3A_236 = arith.constant 0 : i32
    %dma_wait3A_237 = tpu.memref_slice %arg4[%add3A_14, %dma_wait3A_236] : memref<128x8192xf32, #tpu.memory_space<hbm>> -> memref<1x8192xf32, #tpu.memory_space<hbm>>
    %dma_wait3A_238 = tpu.memref_squeeze %dma_wait3A_237 : memref<1x8192xf32, #tpu.memory_space<hbm>> -> memref<8192xf32, #tpu.memory_space<hbm>>
    %dma_wait3A_239 = arith.constant 0 : i32
    %dma_wait3A_240 = tpu.memref_slice %arg4[%add3A_14, %dma_wait3A_239] : memref<128x8192xf32, #tpu.memory_space<hbm>> -> memref<1x8192xf32, #tpu.memory_space<hbm>>
    %dma_wait3A_241 = tpu.memref_squeeze %dma_wait3A_240 : memref<1x8192xf32, #tpu.memory_space<hbm>> -> memref<8192xf32, #tpu.memory_space<hbm>>
    %dma_wait3A_242 = arith.constant 0 : i32
    %dma_wait3A_243 = tpu.memref_slice %arg7[%dma_wait3A_232, %dma_wait3A_242] : memref<2x8192xf32, #tpu.memory_space<vmem>> -> memref<1x8192xf32, #tpu.memory_space<vmem>>
    %dma_wait3A_244 = tpu.memref_squeeze %dma_wait3A_243 : memref<1x8192xf32, #tpu.memory_space<vmem>> -> memref<8192xf32, #tpu.memory_space<vmem>>
    tpu.wait_dma2 semaphore(%arg14 : memref<!tpu.dma_semaphore, #tpu.memory_space<semaphore_mem>>) src(%dma_wait3A_244 : memref<8192xf32, #tpu.memory_space<vmem>>) dst(%dma_wait3A_241 : memref<8192xf32, #tpu.memory_space<hbm>>)
    %swap3A_245 = arith.constant 0 : index
    %swap3A_246 = tpu.vector_load %arg9[%swap3A_245] {strides = array<i32>} : memref<128xf32, #tpu.memory_space<vmem>>, vector<16xf32>,
    tpu.vector_store %arg9[%swap3A_245], %broadcast_in_dim3A_6 {strides = array<i32>} : memref<128xf32, #tpu.memory_space<vmem>>, vector<16xf32>,
    %swap3A_247 = arith.constant 16 : index
    %swap3A_248 = tpu.vector_load %arg9[%swap3A_247] {strides = array<i32>} : memref<128xf32, #tpu.memory_space<vmem>>, vector<16xf32>,
    tpu.vector_store %arg9[%swap3A_247], %broadcast_in_dim3A_6 {strides = array<i32>} : memref<128xf32, #tpu.memory_space<vmem>>, vector<16xf32>,
    %swap3A_249 = arith.constant 32 : index
    %swap3A_250 = tpu.vector_load %arg9[%swap3A_249] {strides = array<i32>} : memref<128xf32, #tpu.memory_space<vmem>>, vector<16xf32>,
    tpu.vector_store %arg9[%swap3A_249], %broadcast_in_dim3A_6 {strides = array<i32>} : memref<128xf32, #tpu.memory_space<vmem>>, vector<16xf32>,
    %swap3A_251 = arith.constant 48 : index
    %swap3A_252 = tpu.vector_load %arg9[%swap3A_251] {strides = array<i32>} : memref<128xf32, #tpu.memory_space<vmem>>, vector<16xf32>,
    tpu.vector_store %arg9[%swap3A_251], %broadcast_in_dim3A_6 {strides = array<i32>} : memref<128xf32, #tpu.memory_space<vmem>>, vector<16xf32>,
    %swap3A_253 = arith.constant 64 : index
    %swap3A_254 = tpu.vector_load %arg9[%swap3A_253] {strides = array<i32>} : memref<128xf32, #tpu.memory_space<vmem>>, vector<16xf32>,
    tpu.vector_store %arg9[%swap3A_253], %broadcast_in_dim3A_6 {strides = array<i32>} : memref<128xf32, #tpu.memory_space<vmem>>, vector<16xf32>,
    %swap3A_255 = arith.constant 80 : index
    %swap3A_256 = tpu.vector_load %arg9[%swap3A_255] {strides = array<i32>} : memref<128xf32, #tpu.memory_space<vmem>>, vector<16xf32>,
    tpu.vector_store %arg9[%swap3A_255], %broadcast_in_dim3A_6 {strides = array<i32>} : memref<128xf32, #tpu.memory_space<vmem>>, vector<16xf32>,
    %swap3A_257 = arith.constant 96 : index
    %swap3A_258 = tpu.vector_load %arg9[%swap3A_257] {strides = array<i32>} : memref<128xf32, #tpu.memory_space<vmem>>, vector<16xf32>,
    tpu.vector_store %arg9[%swap3A_257], %broadcast_in_dim3A_6 {strides = array<i32>} : memref<128xf32, #tpu.memory_space<vmem>>, vector<16xf32>,
    %swap3A_259 = arith.constant 112 : index
    %swap3A_260 = tpu.vector_load %arg9[%swap3A_259] {strides = array<i32>} : memref<128xf32, #tpu.memory_space<vmem>>, vector<16xf32>,
    tpu.vector_store %arg9[%swap3A_259], %broadcast_in_dim3A_6 {strides = array<i32>} : memref<128xf32, #tpu.memory_space<vmem>>, vector<16xf32>,
    %parallel_loop3A_261 = arith.constant 0 : i32
    %parallel_loop3A_262 = arith.constant 512 : i32
    %parallel_loop3A_263 = arith.constant 1 : i32
    scf.for %parallel_loop3A_303 = %parallel_loop3A_261 to %parallel_loop3A_262 step %parallel_loop3A_263  : i32 {
      %parallel_loop3A_304 = arith.constant 16 : i32
      %parallel_loop3A_305 = arith.muli %parallel_loop3A_303, %parallel_loop3A_304 : i32
      %parallel_loop3A_306 = arith.constant 1 : i32
      %parallel_loop3A_307 = arith.index_cast %parallel_loop3A_306 : i32 to index
      %parallel_loop3A_308 = arith.index_cast %parallel_loop3A_305 : i32 to index
      %parallel_loop3A_309 = tpu.vector_load %arg6[%parallel_loop3A_307, %parallel_loop3A_308] {strides = array<i32>} : memref<2x8192xi32, #tpu.memory_space<vmem>>, vector<16xi32>,
      %parallel_loop3A_310 = tpu.vector_load_idx %arg8[%parallel_loop3A_309] : memref<128xf32, #tpu.memory_space<vmem>>[vector<16xi32>], vector<16xf32>,
      %parallel_loop3A_311 = arith.constant 1 : i32
      %parallel_loop3A_312 = arith.index_cast %parallel_loop3A_311 : i32 to index
      %parallel_loop3A_313 = arith.index_cast %parallel_loop3A_305 : i32 to index
      %parallel_loop3A_314 = tpu.vector_load %arg7[%parallel_loop3A_312, %parallel_loop3A_313] {strides = array<i32>} : memref<2x8192xf32, #tpu.memory_space<vmem>>, vector<16xf32>,
      tpu.vector_store %arg7[%parallel_loop3A_312, %parallel_loop3A_313], %parallel_loop3A_310 {strides = array<i32>} : memref<2x8192xf32, #tpu.memory_space<vmem>>, vector<16xf32>,
      tpu.vector_store_idx %arg9[%parallel_loop3A_309], %broadcast_in_dim3A_4 {add = true} : memref<128xf32, #tpu.memory_space<vmem>>[vector<16xi32>], vector<16xf32>,
    } {sc.loop_unroll_factor = 16 : i64, sc.parallel_access}
    %dma_start3A_264 = arith.constant 1 : i32
    %dma_start3A_265 = arith.constant 0 : i32
    %dma_start3A_266 = tpu.memref_slice %arg7[%dma_start3A_264, %dma_start3A_265] : memref<2x8192xf32, #tpu.memory_space<vmem>> -> memref<1x8192xf32, #tpu.memory_space<vmem>>
    %dma_start3A_267 = tpu.memref_squeeze %dma_start3A_266 : memref<1x8192xf32, #tpu.memory_space<vmem>> -> memref<8192xf32, #tpu.memory_space<vmem>>
    %dma_start3A_268 = arith.constant 0 : i32
    %dma_start3A_269 = tpu.memref_slice %arg4[%add3A_22, %dma_start3A_268] : memref<128x8192xf32, #tpu.memory_space<hbm>> -> memref<1x8192xf32, #tpu.memory_space<hbm>>
    %dma_start3A_270 = tpu.memref_squeeze %dma_start3A_269 : memref<1x8192xf32, #tpu.memory_space<hbm>> -> memref<8192xf32, #tpu.memory_space<hbm>>
    %dma_start3A_271 = arith.constant 0 : i32
    %dma_start3A_272 = tpu.memref_slice %arg4[%add3A_22, %dma_start3A_271] : memref<128x8192xf32, #tpu.memory_space<hbm>> -> memref<1x8192xf32, #tpu.memory_space<hbm>>
    %dma_start3A_273 = tpu.memref_squeeze %dma_start3A_272 : memref<1x8192xf32, #tpu.memory_space<hbm>> -> memref<8192xf32, #tpu.memory_space<hbm>>
    %dma_start3A_274 = arith.constant 0 : i32
    %dma_start3A_275 = tpu.memref_slice %arg7[%dma_start3A_264, %dma_start3A_274] : memref<2x8192xf32, #tpu.memory_space<vmem>> -> memref<1x8192xf32, #tpu.memory_space<vmem>>
    %dma_start3A_276 = tpu.memref_squeeze %dma_start3A_275 : memref<1x8192xf32, #tpu.memory_space<vmem>> -> memref<8192xf32, #tpu.memory_space<vmem>>
    tpu.enqueue_dma source(%dma_start3A_276 : memref<8192xf32, #tpu.memory_space<vmem>>) target(%dma_start3A_273 : memref<8192xf32, #tpu.memory_space<hbm>>) target_semaphore(%arg14 : memref<!tpu.dma_semaphore, #tpu.memory_space<semaphore_mem>>)
    "tpu.region"() ({
      %run_scoped3A = tpu.sem_alloc : memref<!tpu.dma_semaphore, #tpu.memory_space<semaphore_mem>>
      %dma_start3A_303 = arith.constant 0 : i32
      %dma_start3A_304 = tpu.memref_slice %arg5[%add3A_22, %dma_start3A_303] : memref<128x128xf32, #tpu.memory_space<hbm>> -> memref<1x128xf32, #tpu.memory_space<hbm>>
      %dma_start3A_305 = tpu.memref_squeeze %dma_start3A_304 : memref<1x128xf32, #tpu.memory_space<hbm>> -> memref<128xf32, #tpu.memory_space<hbm>>
      %dma_start3A_306 = arith.constant 0 : i32
      %dma_start3A_307 = tpu.memref_slice %arg5[%add3A_22, %dma_start3A_306] : memref<128x128xf32, #tpu.memory_space<hbm>> -> memref<1x128xf32, #tpu.memory_space<hbm>>
      %dma_start3A_308 = tpu.memref_squeeze %dma_start3A_307 : memref<1x128xf32, #tpu.memory_space<hbm>> -> memref<128xf32, #tpu.memory_space<hbm>>
      tpu.enqueue_dma source(%arg9 : memref<128xf32, #tpu.memory_space<vmem>>) target(%dma_start3A_308 : memref<128xf32, #tpu.memory_space<hbm>>) target_semaphore(%run_scoped3A : memref<!tpu.dma_semaphore, #tpu.memory_space<semaphore_mem>>)
      %dma_wait3A_309 = arith.constant 0 : i32
      %dma_wait3A_310 = tpu.memref_slice %arg5[%add3A_22, %dma_wait3A_309] : memref<128x128xf32, #tpu.memory_space<hbm>> -> memref<1x128xf32, #tpu.memory_space<hbm>>
      %dma_wait3A_311 = tpu.memref_squeeze %dma_wait3A_310 : memref<1x128xf32, #tpu.memory_space<hbm>> -> memref<128xf32, #tpu.memory_space<hbm>>
      %dma_wait3A_312 = arith.constant 0 : i32
      %dma_wait3A_313 = tpu.memref_slice %arg5[%add3A_22, %dma_wait3A_312] : memref<128x128xf32, #tpu.memory_space<hbm>> -> memref<1x128xf32, #tpu.memory_space<hbm>>
      %dma_wait3A_314 = tpu.memref_squeeze %dma_wait3A_313 : memref<1x128xf32, #tpu.memory_space<hbm>> -> memref<128xf32, #tpu.memory_space<hbm>>
      tpu.wait_dma2 semaphore(%run_scoped3A : memref<!tpu.dma_semaphore, #tpu.memory_space<semaphore_mem>>) src(%arg9 : memref<128xf32, #tpu.memory_space<vmem>>) dst(%dma_wait3A_314 : memref<128xf32, #tpu.memory_space<hbm>>)
      tpu.yield
    }) : () -> ()
    %dma_wait3A_277 = arith.constant 0 : i32
    %dma_wait3A_278 = arith.constant 0 : i32
    %dma_wait3A_279 = tpu.memref_slice %arg7[%dma_wait3A_277, %dma_wait3A_278] : memref<2x8192xf32, #tpu.memory_space<vmem>> -> memref<1x8192xf32, #tpu.memory_space<vmem>>
    %dma_wait3A_280 = tpu.memref_squeeze %dma_wait3A_279 : memref<1x8192xf32, #tpu.memory_space<vmem>> -> memref<8192xf32, #tpu.memory_space<vmem>>
    %dma_wait3A_281 = arith.constant 0 : i32
    %dma_wait3A_282 = tpu.memref_slice %arg4[%add3A_18, %dma_wait3A_281] : memref<128x8192xf32, #tpu.memory_space<hbm>> -> memref<1x8192xf32, #tpu.memory_space<hbm>>
    %dma_wait3A_283 = tpu.memref_squeeze %dma_wait3A_282 : memref<1x8192xf32, #tpu.memory_space<hbm>> -> memref<8192xf32, #tpu.memory_space<hbm>>
    %dma_wait3A_284 = arith.constant 0 : i32
    %dma_wait3A_285 = tpu.memref_slice %arg4[%add3A_18, %dma_wait3A_284] : memref<128x8192xf32, #tpu.memory_space<hbm>> -> memref<1x8192xf32, #tpu.memory_space<hbm>>
    %dma_wait3A_286 = tpu.memref_squeeze %dma_wait3A_285 : memref<1x8192xf32, #tpu.memory_space<hbm>> -> memref<8192xf32, #tpu.memory_space<hbm>>
    %dma_wait3A_287 = arith.constant 0 : i32
    %dma_wait3A_288 = tpu.memref_slice %arg7[%dma_wait3A_277, %dma_wait3A_287] : memref<2x8192xf32, #tpu.memory_space<vmem>> -> memref<1x8192xf32, #tpu.memory_space<vmem>>
    %dma_wait3A_289 = tpu.memref_squeeze %dma_wait3A_288 : memref<1x8192xf32, #tpu.memory_space<vmem>> -> memref<8192xf32, #tpu.memory_space<vmem>>
    tpu.wait_dma2 semaphore(%arg13 : memref<!tpu.dma_semaphore, #tpu.memory_space<semaphore_mem>>) src(%dma_wait3A_289 : memref<8192xf32, #tpu.memory_space<vmem>>) dst(%dma_wait3A_286 : memref<8192xf32, #tpu.memory_space<hbm>>)
    %dma_wait3A_290 = arith.constant 1 : i32
    %dma_wait3A_291 = arith.constant 0 : i32
    %dma_wait3A_292 = tpu.memref_slice %arg7[%dma_wait3A_290, %dma_wait3A_291] : memref<2x8192xf32, #tpu.memory_space<vmem>> -> memref<1x8192xf32, #tpu.memory_space<vmem>>
    %dma_wait3A_293 = tpu.memref_squeeze %dma_wait3A_292 : memref<1x8192xf32, #tpu.memory_space<vmem>> -> memref<8192xf32, #tpu.memory_space<vmem>>
    %dma_wait3A_294 = arith.constant 0 : i32
    %dma_wait3A_295 = tpu.memref_slice %arg4[%add3A_22, %dma_wait3A_294] : memref<128x8192xf32, #tpu.memory_space<hbm>> -> memref<1x8192xf32, #tpu.memory_space<hbm>>
    %dma_wait3A_296 = tpu.memref_squeeze %dma_wait3A_295 : memref<1x8192xf32, #tpu.memory_space<hbm>> -> memref<8192xf32, #tpu.memory_space<hbm>>
    %dma_wait3A_297 = arith.constant 0 : i32
    %dma_wait3A_298 = tpu.memref_slice %arg4[%add3A_22, %dma_wait3A_297] : memref<128x8192xf32, #tpu.memory_space<hbm>> -> memref<1x8192xf32, #tpu.memory_space<hbm>>
    %dma_wait3A_299 = tpu.memref_squeeze %dma_wait3A_298 : memref<1x8192xf32, #tpu.memory_space<hbm>> -> memref<8192xf32, #tpu.memory_space<hbm>>
    %dma_wait3A_300 = arith.constant 0 : i32
    %dma_wait3A_301 = tpu.memref_slice %arg7[%dma_wait3A_290, %dma_wait3A_300] : memref<2x8192xf32, #tpu.memory_space<vmem>> -> memref<1x8192xf32, #tpu.memory_space<vmem>>
    %dma_wait3A_302 = tpu.memref_squeeze %dma_wait3A_301 : memref<1x8192xf32, #tpu.memory_space<vmem>> -> memref<8192xf32, #tpu.memory_space<vmem>>
    tpu.wait_dma2 semaphore(%arg14 : memref<!tpu.dma_semaphore, #tpu.memory_space<semaphore_mem>>) src(%dma_wait3A_302 : memref<8192xf32, #tpu.memory_space<vmem>>) dst(%dma_wait3A_299 : memref<8192xf32, #tpu.memory_space<hbm>>)
    return
  }
}

module attributes {stable_mosaic.version = 14 : i64} {
  func.func @_gate_body(%arg0: memref<128x64xf32, #tpu.memory_space<hbm>>, %arg1: memref<1x64xf32, #tpu.memory_space<vmem>>, %arg2: memref<1x1xf32, #tpu.memory_space<vmem>>, %arg3: memref<128x1xf32, #tpu.memory_space<vmem>>, %arg4: memref<1x128xf32, #tpu.memory_space<vmem>>, %arg5: memref<1x128xf32, #tpu.memory_space<vmem>>, %arg6: memref<128x64xf32, #tpu.memory_space<vmem>>, %arg7: memref<!tpu.dma_semaphore, #tpu.memory_space<semaphore_mem>>) attributes {dimension_semantics = [], scalar_prefetch = 0 : i64, scratch_operands = 2 : i64, tpu.core_type = #tpu.core_type<tc>} {
    tpu.enqueue_dma source(%arg0 : memref<128x64xf32, #tpu.memory_space<hbm>>) target(%arg6 : memref<128x64xf32, #tpu.memory_space<vmem>>) target_semaphore(%arg7 : memref<!tpu.dma_semaphore, #tpu.memory_space<semaphore_mem>>)
    tpu.wait_dma2 semaphore(%arg7 : memref<!tpu.dma_semaphore, #tpu.memory_space<semaphore_mem>>) src(%arg0 : memref<128x64xf32, #tpu.memory_space<hbm>>) dst(%arg6 : memref<128x64xf32, #tpu.memory_space<vmem>>)
    %get3A = arith.constant 0 : index
    %get3A_0 = arith.constant 0 : index
    %get3A_1 = vector.load %arg6[%get3A, %get3A_0] : memref<128x64xf32, #tpu.memory_space<vmem>>, vector<128x64xf32>
    %get3A_2 = arith.constant 0 : index
    %get3A_3 = arith.constant 0 : index
    %get3A_4 = vector.load %arg1[%get3A_2, %get3A_3] : memref<1x64xf32, #tpu.memory_space<vmem>>, vector<1x64xf32>
    %mul3A = vector.broadcast %get3A_4 : vector<1x64xf32> to vector<128x64xf32>
    %mul3A_5 = arith.mulf %get3A_1, %mul3A : vector<128x64xf32>
    %reduce_sum3A = arith.constant dense<0.000000e+00> : vector<128xf32>
    %reduce_sum3A_6 = vector.multi_reduction <add>, %mul3A_5, %reduce_sum3A [1] : vector<128x64xf32> to vector<128xf32>
    %broadcast_in_dim3A = vector.shape_cast %reduce_sum3A_6 : vector<128xf32> to vector<128x1xf32>
    %get3A_7 = arith.constant 0 : index
    %get3A_8 = arith.constant 0 : index
    %get3A_9 = vector.load %arg2[%get3A_7, %get3A_8] : memref<1x1xf32, #tpu.memory_space<vmem>>, vector<1x1xf32>
    %get3A_10 = vector.extract %get3A_9[0, 0] : f32 from vector<1x1xf32>
    %add3A = vector.broadcast %get3A_10 : f32 to vector<128x1xf32>
    %add3A_11 = arith.addf %broadcast_in_dim3A, %add3A : vector<128x1xf32>
    %swap3A = arith.constant 0 : index
    %swap3A_12 = arith.constant 0 : index
    %swap3A_13 = vector.load %arg3[%swap3A, %swap3A_12] : memref<128x1xf32, #tpu.memory_space<vmem>>, vector<128x1xf32>
    tpu.vector_store %arg3[%swap3A, %swap3A_12], %add3A_11 {strides = array<i32>} : memref<128x1xf32, #tpu.memory_space<vmem>>, vector<128x1xf32>,
    %reshape3A = vector.shape_cast %add3A_11 : vector<128x1xf32> to vector<1x128xf32>
    %swap3A_14 = arith.constant 0 : index
    %swap3A_15 = arith.constant 0 : index
    %swap3A_16 = vector.load %arg4[%swap3A_14, %swap3A_15] : memref<1x128xf32, #tpu.memory_space<vmem>>, vector<1x128xf32>
    tpu.vector_store %arg4[%swap3A_14, %swap3A_15], %reshape3A {strides = array<i32>} : memref<1x128xf32, #tpu.memory_space<vmem>>, vector<1x128xf32>,
    %logistic3A = arith.negf %reshape3A : vector<1x128xf32>
    %logistic3A_17 = math.exp %logistic3A : vector<1x128xf32>
    %logistic3A_18 = arith.constant 1.000000e+00 : f32
    %logistic3A_19 = vector.broadcast %logistic3A_18 : f32 to vector<1x128xf32>
    %logistic3A_20 = arith.addf %logistic3A_19, %logistic3A_17 : vector<1x128xf32>
    %logistic3A_21 = arith.divf %logistic3A_19, %logistic3A_20 : vector<1x128xf32>
    %swap3A_22 = arith.constant 0 : index
    %swap3A_23 = arith.constant 0 : index
    %swap3A_24 = vector.load %arg5[%swap3A_22, %swap3A_23] : memref<1x128xf32, #tpu.memory_space<vmem>>, vector<1x128xf32>
    tpu.vector_store %arg5[%swap3A_22, %swap3A_23], %logistic3A_21 {strides = array<i32>} : memref<1x128xf32, #tpu.memory_space<vmem>>, vector<1x128xf32>,
    return
  }
}

module attributes {stable_mosaic.version = 14 : i64} {
  func.func @_combine_body(%arg0: memref<128x128xf32, #tpu.memory_space<vmem>>, %arg1: memref<128x1xf32, #tpu.memory_space<vmem>>, %arg2: memref<1x128xf32, #tpu.memory_space<vmem>>, %arg3: memref<128x64xf32, #tpu.memory_space<vmem>>, %arg4: memref<1x128xf32, #tpu.memory_space<vmem>>, %arg5: memref<1x1xf32, #tpu.memory_space<vmem>>, %arg6: memref<128x64xf32, #tpu.memory_space<vmem>>, %arg7: memref<1x128xf32, #tpu.memory_space<vmem>>, %arg8: memref<128x128xf32, #tpu.memory_space<vmem>>, %arg9: memref<8x128xf32, #tpu.memory_space<vmem>>) attributes {dimension_semantics = [], scalar_prefetch = 0 : i64, scratch_operands = 0 : i64, tpu.core_type = #tpu.core_type<tc>} {
    %get3A = arith.constant 0 : index
    %get3A_0 = arith.constant 0 : index
    %get3A_1 = vector.load %arg0[%get3A, %get3A_0] : memref<128x128xf32, #tpu.memory_space<vmem>>, vector<128x128xf32>
    %get3A_2 = arith.constant 0 : index
    %get3A_3 = arith.constant 0 : index
    %get3A_4 = vector.load %arg1[%get3A_2, %get3A_3] : memref<128x1xf32, #tpu.memory_space<vmem>>, vector<128x1xf32>
    %get3A_5 = arith.constant 0 : index
    %get3A_6 = arith.constant 0 : index
    %get3A_7 = vector.load %arg2[%get3A_5, %get3A_6] : memref<1x128xf32, #tpu.memory_space<vmem>>, vector<1x128xf32>
    %iota3A = tpu.iota {dimensions = array<i32: 0>} : vector<128x128xi32>
    %iota3A_8 = tpu.iota {dimensions = array<i32: 1>} : vector<128x128xi32>
    %gt3A = vector.broadcast %get3A_4 : vector<128x1xf32> to vector<128x128xf32>
    %gt3A_9 = vector.broadcast %get3A_7 : vector<1x128xf32> to vector<128x128xf32>
    %gt3A_10 = arith.cmpf ogt, %gt3A, %gt3A_9 : vector<128x128xf32>
    %eq3A = vector.broadcast %get3A_4 : vector<128x1xf32> to vector<128x128xf32>
    %eq3A_11 = vector.broadcast %get3A_7 : vector<1x128xf32> to vector<128x128xf32>
    %eq3A_12 = arith.cmpf oeq, %eq3A, %eq3A_11 : vector<128x128xf32>
    %lt3A = arith.cmpi slt, %iota3A, %iota3A_8 : vector<128x128xi32>
    %and3A = arith.andi %eq3A_12, %lt3A : vector<128x128xi1>
    %or3A = arith.ori %gt3A_10, %and3A : vector<128x128xi1>
    %jit3A = arith.constant 1.000000e+00 : f32
    %jit3A_13 = arith.constant 0.000000e+00 : f32
    %broadcast_in_dim3A = vector.broadcast %jit3A : f32 to vector<128x128xf32>
    %broadcast_in_dim3A_14 = vector.broadcast %jit3A_13 : f32 to vector<128x128xf32>
    %select_n3A = arith.select %or3A, %broadcast_in_dim3A, %broadcast_in_dim3A_14 : vector<128x128xi1>, vector<128x128xf32>
    %dot_general3A = arith.constant dense<0.000000e+00> : vector<128x128xf32>
    %dot_general3A_15 = tpu.matmul %get3A_1, %select_n3A, %dot_general3A {dimension_numbers = #tpu.dot_dimension_numbers<[1], [0], [0], [1], [0, 0, 1, 1], [], []>, transpose_lhs_hint = false} : vector<128x128xf32>, vector<128x128xf32>, vector<128x128xf32> -> vector<128x128xf32>
    %add3A = arith.addf %dot_general3A_15, %get3A_1 : vector<128x128xf32>
    %get3A_16 = arith.constant 0 : index
    %get3A_17 = arith.constant 0 : index
    %get3A_18 = vector.load %arg3[%get3A_16, %get3A_17] : memref<128x64xf32, #tpu.memory_space<vmem>>, vector<128x64xf32>
    %dot_general3A_19 = arith.constant dense<0.000000e+00> : vector<128x64xf32>
    %dot_general3A_20 = tpu.matmul %get3A_1, %get3A_18, %dot_general3A_19 {dimension_numbers = #tpu.dot_dimension_numbers<[1], [0], [0], [1], [0, 0, 1, 1], [], []>, transpose_lhs_hint = false} : vector<128x128xf32>, vector<128x64xf32>, vector<128x64xf32> -> vector<128x64xf32>
    %mul3A = arith.constant 1.22070313E-4 : f32
    %mul3A_21 = vector.broadcast %mul3A : f32 to vector<128x64xf32>
    %mul3A_22 = arith.mulf %dot_general3A_20, %mul3A_21 : vector<128x64xf32>
    %get3A_23 = arith.constant 0 : index
    %get3A_24 = arith.constant 0 : index
    %get3A_25 = vector.load %arg4[%get3A_23, %get3A_24] : memref<1x128xf32, #tpu.memory_space<vmem>>, vector<1x128xf32>
    %slice3A = vector.extract_strided_slice %get3A_25 {offsets = [0, 0], sizes = [1, 64], strides = [1, 1]} : vector<1x128xf32> to vector<1x64xf32>
    %dot_general3A_26 = arith.constant dense<0.000000e+00> : vector<128x1xf32>
    %dot_general3A_27 = tpu.matmul %mul3A_22, %slice3A, %dot_general3A_26 {dimension_numbers = #tpu.dot_dimension_numbers<[1], [1], [0], [0], [0, 0, 1, 0], [], []>, transpose_lhs_hint = false} : vector<128x64xf32>, vector<1x64xf32>, vector<128x1xf32> -> vector<128x1xf32>
    %get3A_28 = arith.constant 0 : index
    %get3A_29 = arith.constant 0 : index
    %get3A_30 = vector.load %arg5[%get3A_28, %get3A_29] : memref<1x1xf32, #tpu.memory_space<vmem>>, vector<1x1xf32>
    %get3A_31 = vector.extract %get3A_30[0, 0] : f32 from vector<1x1xf32>
    %broadcast_in_dim3A_32 = arith.constant 0.000000e+00 : f32
    %broadcast_in_dim3A_33 = vector.broadcast %broadcast_in_dim3A_32 : f32 to vector<128x1xf32>
    %broadcast_in_dim3A_34 = arith.constant 0.000000e+00 : f32
    %broadcast_in_dim3A_35 = vector.broadcast %broadcast_in_dim3A_34 : f32 to vector<128x64xf32>
    %le3A = arith.constant 0.000000e+00 : f32
    %le3A_36 = vector.broadcast %le3A : f32 to vector<128x128xf32>
    %le3A_37 = arith.cmpf ole, %dot_general3A_15, %le3A_36 : vector<128x128xf32>
    %gt3A_38 = arith.constant 0.000000e+00 : f32
    %gt3A_39 = vector.broadcast %gt3A_38 : f32 to vector<128x128xf32>
    %gt3A_40 = arith.cmpf ogt, %add3A, %gt3A_39 : vector<128x128xf32>
    %and3A_41 = arith.andi %le3A_37, %gt3A_40 : vector<128x128xi1>
    %jit3A_42 = arith.constant 1.000000e+00 : f32
    %jit3A_43 = arith.constant 0.000000e+00 : f32
    %broadcast_in_dim3A_44 = vector.broadcast %jit3A_42 : f32 to vector<128x128xf32>
    %broadcast_in_dim3A_45 = vector.broadcast %jit3A_43 : f32 to vector<128x128xf32>
    %select_n3A_46 = arith.select %and3A_41, %broadcast_in_dim3A_44, %broadcast_in_dim3A_45 : vector<128x128xi1>, vector<128x128xf32>
    %dot_general3A_47 = arith.constant dense<0.000000e+00> : vector<128x64xf32>
    %dot_general3A_48 = tpu.matmul %select_n3A_46, %get3A_18, %dot_general3A_47 {dimension_numbers = #tpu.dot_dimension_numbers<[1], [0], [0], [1], [0, 0, 1, 1], [], []>, transpose_lhs_hint = false} : vector<128x128xf32>, vector<128x64xf32>, vector<128x64xf32> -> vector<128x64xf32>
    %slice3A_49 = vector.extract_strided_slice %get3A_25 {offsets = [0, 64], sizes = [1, 64], strides = [1, 1]} : vector<1x128xf32> to vector<1x64xf32>
    %dot_general3A_50 = arith.constant dense<0.000000e+00> : vector<128x1xf32>
    %dot_general3A_51 = tpu.matmul %dot_general3A_48, %slice3A_49, %dot_general3A_50 {dimension_numbers = #tpu.dot_dimension_numbers<[1], [1], [0], [0], [0, 0, 1, 0], [], []>, transpose_lhs_hint = false} : vector<128x64xf32>, vector<1x64xf32>, vector<128x1xf32> -> vector<128x1xf32>
    %add3A_52 = arith.addf %dot_general3A_27, %dot_general3A_51 : vector<128x1xf32>
    %add3A_53 = vector.broadcast %get3A_31 : f32 to vector<128x1xf32>
    %add3A_54 = arith.addf %add3A_52, %add3A_53 : vector<128x1xf32>
    %logistic3A = arith.negf %add3A_54 : vector<128x1xf32>
    %logistic3A_55 = math.exp %logistic3A : vector<128x1xf32>
    %logistic3A_56 = arith.constant 1.000000e+00 : f32
    %logistic3A_57 = vector.broadcast %logistic3A_56 : f32 to vector<128x1xf32>
    %logistic3A_58 = arith.addf %logistic3A_57, %logistic3A_55 : vector<128x1xf32>
    %logistic3A_59 = arith.divf %logistic3A_57, %logistic3A_58 : vector<128x1xf32>
    %add3A_60 = arith.addf %broadcast_in_dim3A_33, %logistic3A_59 : vector<128x1xf32>
    %mul3A_61 = vector.broadcast %logistic3A_59 : vector<128x1xf32> to vector<128x64xf32>
    %mul3A_62 = arith.mulf %mul3A_61, %dot_general3A_48 : vector<128x64xf32>
    %add3A_63 = arith.addf %broadcast_in_dim3A_35, %mul3A_62 : vector<128x64xf32>
    %le3A_64 = arith.constant 1.000000e+00 : f32
    %le3A_65 = vector.broadcast %le3A_64 : f32 to vector<128x128xf32>
    %le3A_66 = arith.cmpf ole, %dot_general3A_15, %le3A_65 : vector<128x128xf32>
    %gt3A_67 = arith.constant 1.000000e+00 : f32
    %gt3A_68 = vector.broadcast %gt3A_67 : f32 to vector<128x128xf32>
    %gt3A_69 = arith.cmpf ogt, %add3A, %gt3A_68 : vector<128x128xf32>
    %and3A_70 = arith.andi %le3A_66, %gt3A_69 : vector<128x128xi1>
    %jit3A_71 = arith.constant 1.000000e+00 : f32
    %jit3A_72 = arith.constant 0.000000e+00 : f32
    %broadcast_in_dim3A_73 = vector.broadcast %jit3A_71 : f32 to vector<128x128xf32>
    %broadcast_in_dim3A_74 = vector.broadcast %jit3A_72 : f32 to vector<128x128xf32>
    %select_n3A_75 = arith.select %and3A_70, %broadcast_in_dim3A_73, %broadcast_in_dim3A_74 : vector<128x128xi1>, vector<128x128xf32>
    %dot_general3A_76 = arith.constant dense<0.000000e+00> : vector<128x64xf32>
    %dot_general3A_77 = tpu.matmul %select_n3A_75, %get3A_18, %dot_general3A_76 {dimension_numbers = #tpu.dot_dimension_numbers<[1], [0], [0], [1], [0, 0, 1, 1], [], []>, transpose_lhs_hint = false} : vector<128x128xf32>, vector<128x64xf32>, vector<128x64xf32> -> vector<128x64xf32>
    %slice3A_78 = vector.extract_strided_slice %get3A_25 {offsets = [0, 64], sizes = [1, 64], strides = [1, 1]} : vector<1x128xf32> to vector<1x64xf32>
    %dot_general3A_79 = arith.constant dense<0.000000e+00> : vector<128x1xf32>
    %dot_general3A_80 = tpu.matmul %dot_general3A_77, %slice3A_78, %dot_general3A_79 {dimension_numbers = #tpu.dot_dimension_numbers<[1], [1], [0], [0], [0, 0, 1, 0], [], []>, transpose_lhs_hint = false} : vector<128x64xf32>, vector<1x64xf32>, vector<128x1xf32> -> vector<128x1xf32>
    %add3A_81 = arith.addf %dot_general3A_27, %dot_general3A_80 : vector<128x1xf32>
    %add3A_82 = vector.broadcast %get3A_31 : f32 to vector<128x1xf32>
    %add3A_83 = arith.addf %add3A_81, %add3A_82 : vector<128x1xf32>
    %logistic3A_84 = arith.negf %add3A_83 : vector<128x1xf32>
    %logistic3A_85 = math.exp %logistic3A_84 : vector<128x1xf32>
    %logistic3A_86 = arith.constant 1.000000e+00 : f32
    %logistic3A_87 = vector.broadcast %logistic3A_86 : f32 to vector<128x1xf32>
    %logistic3A_88 = arith.addf %logistic3A_87, %logistic3A_85 : vector<128x1xf32>
    %logistic3A_89 = arith.divf %logistic3A_87, %logistic3A_88 : vector<128x1xf32>
    %add3A_90 = arith.addf %add3A_60, %logistic3A_89 : vector<128x1xf32>
    %mul3A_91 = vector.broadcast %logistic3A_89 : vector<128x1xf32> to vector<128x64xf32>
    %mul3A_92 = arith.mulf %mul3A_91, %dot_general3A_77 : vector<128x64xf32>
    %add3A_93 = arith.addf %add3A_63, %mul3A_92 : vector<128x64xf32>
    %le3A_94 = arith.constant 2.000000e+00 : f32
    %le3A_95 = vector.broadcast %le3A_94 : f32 to vector<128x128xf32>
    %le3A_96 = arith.cmpf ole, %dot_general3A_15, %le3A_95 : vector<128x128xf32>
    %gt3A_97 = arith.constant 2.000000e+00 : f32
    %gt3A_98 = vector.broadcast %gt3A_97 : f32 to vector<128x128xf32>
    %gt3A_99 = arith.cmpf ogt, %add3A, %gt3A_98 : vector<128x128xf32>
    %and3A_100 = arith.andi %le3A_96, %gt3A_99 : vector<128x128xi1>
    %jit3A_101 = arith.constant 1.000000e+00 : f32
    %jit3A_102 = arith.constant 0.000000e+00 : f32
    %broadcast_in_dim3A_103 = vector.broadcast %jit3A_101 : f32 to vector<128x128xf32>
    %broadcast_in_dim3A_104 = vector.broadcast %jit3A_102 : f32 to vector<128x128xf32>
    %select_n3A_105 = arith.select %and3A_100, %broadcast_in_dim3A_103, %broadcast_in_dim3A_104 : vector<128x128xi1>, vector<128x128xf32>
    %dot_general3A_106 = arith.constant dense<0.000000e+00> : vector<128x64xf32>
    %dot_general3A_107 = tpu.matmul %select_n3A_105, %get3A_18, %dot_general3A_106 {dimension_numbers = #tpu.dot_dimension_numbers<[1], [0], [0], [1], [0, 0, 1, 1], [], []>, transpose_lhs_hint = false} : vector<128x128xf32>, vector<128x64xf32>, vector<128x64xf32> -> vector<128x64xf32>
    %slice3A_108 = vector.extract_strided_slice %get3A_25 {offsets = [0, 64], sizes = [1, 64], strides = [1, 1]} : vector<1x128xf32> to vector<1x64xf32>
    %dot_general3A_109 = arith.constant dense<0.000000e+00> : vector<128x1xf32>
    %dot_general3A_110 = tpu.matmul %dot_general3A_107, %slice3A_108, %dot_general3A_109 {dimension_numbers = #tpu.dot_dimension_numbers<[1], [1], [0], [0], [0, 0, 1, 0], [], []>, transpose_lhs_hint = false} : vector<128x64xf32>, vector<1x64xf32>, vector<128x1xf32> -> vector<128x1xf32>
    %add3A_111 = arith.addf %dot_general3A_27, %dot_general3A_110 : vector<128x1xf32>
    %add3A_112 = vector.broadcast %get3A_31 : f32 to vector<128x1xf32>
    %add3A_113 = arith.addf %add3A_111, %add3A_112 : vector<128x1xf32>
    %logistic3A_114 = arith.negf %add3A_113 : vector<128x1xf32>
    %logistic3A_115 = math.exp %logistic3A_114 : vector<128x1xf32>
    %logistic3A_116 = arith.constant 1.000000e+00 : f32
    %logistic3A_117 = vector.broadcast %logistic3A_116 : f32 to vector<128x1xf32>
    %logistic3A_118 = arith.addf %logistic3A_117, %logistic3A_115 : vector<128x1xf32>
    %logistic3A_119 = arith.divf %logistic3A_117, %logistic3A_118 : vector<128x1xf32>
    %add3A_120 = arith.addf %add3A_90, %logistic3A_119 : vector<128x1xf32>
    %mul3A_121 = vector.broadcast %logistic3A_119 : vector<128x1xf32> to vector<128x64xf32>
    %mul3A_122 = arith.mulf %mul3A_121, %dot_general3A_107 : vector<128x64xf32>
    %add3A_123 = arith.addf %add3A_93, %mul3A_122 : vector<128x64xf32>
    %le3A_124 = arith.constant 3.000000e+00 : f32
    %le3A_125 = vector.broadcast %le3A_124 : f32 to vector<128x128xf32>
    %le3A_126 = arith.cmpf ole, %dot_general3A_15, %le3A_125 : vector<128x128xf32>
    %gt3A_127 = arith.constant 3.000000e+00 : f32
    %gt3A_128 = vector.broadcast %gt3A_127 : f32 to vector<128x128xf32>
    %gt3A_129 = arith.cmpf ogt, %add3A, %gt3A_128 : vector<128x128xf32>
    %and3A_130 = arith.andi %le3A_126, %gt3A_129 : vector<128x128xi1>
    %jit3A_131 = arith.constant 1.000000e+00 : f32
    %jit3A_132 = arith.constant 0.000000e+00 : f32
    %broadcast_in_dim3A_133 = vector.broadcast %jit3A_131 : f32 to vector<128x128xf32>
    %broadcast_in_dim3A_134 = vector.broadcast %jit3A_132 : f32 to vector<128x128xf32>
    %select_n3A_135 = arith.select %and3A_130, %broadcast_in_dim3A_133, %broadcast_in_dim3A_134 : vector<128x128xi1>, vector<128x128xf32>
    %dot_general3A_136 = arith.constant dense<0.000000e+00> : vector<128x64xf32>
    %dot_general3A_137 = tpu.matmul %select_n3A_135, %get3A_18, %dot_general3A_136 {dimension_numbers = #tpu.dot_dimension_numbers<[1], [0], [0], [1], [0, 0, 1, 1], [], []>, transpose_lhs_hint = false} : vector<128x128xf32>, vector<128x64xf32>, vector<128x64xf32> -> vector<128x64xf32>
    %slice3A_138 = vector.extract_strided_slice %get3A_25 {offsets = [0, 64], sizes = [1, 64], strides = [1, 1]} : vector<1x128xf32> to vector<1x64xf32>
    %dot_general3A_139 = arith.constant dense<0.000000e+00> : vector<128x1xf32>
    %dot_general3A_140 = tpu.matmul %dot_general3A_137, %slice3A_138, %dot_general3A_139 {dimension_numbers = #tpu.dot_dimension_numbers<[1], [1], [0], [0], [0, 0, 1, 0], [], []>, transpose_lhs_hint = false} : vector<128x64xf32>, vector<1x64xf32>, vector<128x1xf32> -> vector<128x1xf32>
    %add3A_141 = arith.addf %dot_general3A_27, %dot_general3A_140 : vector<128x1xf32>
    %add3A_142 = vector.broadcast %get3A_31 : f32 to vector<128x1xf32>
    %add3A_143 = arith.addf %add3A_141, %add3A_142 : vector<128x1xf32>
    %logistic3A_144 = arith.negf %add3A_143 : vector<128x1xf32>
    %logistic3A_145 = math.exp %logistic3A_144 : vector<128x1xf32>
    %logistic3A_146 = arith.constant 1.000000e+00 : f32
    %logistic3A_147 = vector.broadcast %logistic3A_146 : f32 to vector<128x1xf32>
    %logistic3A_148 = arith.addf %logistic3A_147, %logistic3A_145 : vector<128x1xf32>
    %logistic3A_149 = arith.divf %logistic3A_147, %logistic3A_148 : vector<128x1xf32>
    %add3A_150 = arith.addf %add3A_120, %logistic3A_149 : vector<128x1xf32>
    %mul3A_151 = vector.broadcast %logistic3A_149 : vector<128x1xf32> to vector<128x64xf32>
    %mul3A_152 = arith.mulf %mul3A_151, %dot_general3A_137 : vector<128x64xf32>
    %add3A_153 = arith.addf %add3A_123, %mul3A_152 : vector<128x64xf32>
    %le3A_154 = arith.constant 4.000000e+00 : f32
    %le3A_155 = vector.broadcast %le3A_154 : f32 to vector<128x128xf32>
    %le3A_156 = arith.cmpf ole, %dot_general3A_15, %le3A_155 : vector<128x128xf32>
    %gt3A_157 = arith.constant 4.000000e+00 : f32
    %gt3A_158 = vector.broadcast %gt3A_157 : f32 to vector<128x128xf32>
    %gt3A_159 = arith.cmpf ogt, %add3A, %gt3A_158 : vector<128x128xf32>
    %and3A_160 = arith.andi %le3A_156, %gt3A_159 : vector<128x128xi1>
    %jit3A_161 = arith.constant 1.000000e+00 : f32
    %jit3A_162 = arith.constant 0.000000e+00 : f32
    %broadcast_in_dim3A_163 = vector.broadcast %jit3A_161 : f32 to vector<128x128xf32>
    %broadcast_in_dim3A_164 = vector.broadcast %jit3A_162 : f32 to vector<128x128xf32>
    %select_n3A_165 = arith.select %and3A_160, %broadcast_in_dim3A_163, %broadcast_in_dim3A_164 : vector<128x128xi1>, vector<128x128xf32>
    %dot_general3A_166 = arith.constant dense<0.000000e+00> : vector<128x64xf32>
    %dot_general3A_167 = tpu.matmul %select_n3A_165, %get3A_18, %dot_general3A_166 {dimension_numbers = #tpu.dot_dimension_numbers<[1], [0], [0], [1], [0, 0, 1, 1], [], []>, transpose_lhs_hint = false} : vector<128x128xf32>, vector<128x64xf32>, vector<128x64xf32> -> vector<128x64xf32>
    %slice3A_168 = vector.extract_strided_slice %get3A_25 {offsets = [0, 64], sizes = [1, 64], strides = [1, 1]} : vector<1x128xf32> to vector<1x64xf32>
    %dot_general3A_169 = arith.constant dense<0.000000e+00> : vector<128x1xf32>
    %dot_general3A_170 = tpu.matmul %dot_general3A_167, %slice3A_168, %dot_general3A_169 {dimension_numbers = #tpu.dot_dimension_numbers<[1], [1], [0], [0], [0, 0, 1, 0], [], []>, transpose_lhs_hint = false} : vector<128x64xf32>, vector<1x64xf32>, vector<128x1xf32> -> vector<128x1xf32>
    %add3A_171 = arith.addf %dot_general3A_27, %dot_general3A_170 : vector<128x1xf32>
    %add3A_172 = vector.broadcast %get3A_31 : f32 to vector<128x1xf32>
    %add3A_173 = arith.addf %add3A_171, %add3A_172 : vector<128x1xf32>
    %logistic3A_174 = arith.negf %add3A_173 : vector<128x1xf32>
    %logistic3A_175 = math.exp %logistic3A_174 : vector<128x1xf32>
    %logistic3A_176 = arith.constant 1.000000e+00 : f32
    %logistic3A_177 = vector.broadcast %logistic3A_176 : f32 to vector<128x1xf32>
    %logistic3A_178 = arith.addf %logistic3A_177, %logistic3A_175 : vector<128x1xf32>
    %logistic3A_179 = arith.divf %logistic3A_177, %logistic3A_178 : vector<128x1xf32>
    %add3A_180 = arith.addf %add3A_150, %logistic3A_179 : vector<128x1xf32>
    %mul3A_181 = vector.broadcast %logistic3A_179 : vector<128x1xf32> to vector<128x64xf32>
    %mul3A_182 = arith.mulf %mul3A_181, %dot_general3A_167 : vector<128x64xf32>
    %add3A_183 = arith.addf %add3A_153, %mul3A_182 : vector<128x64xf32>
    %le3A_184 = arith.constant 5.000000e+00 : f32
    %le3A_185 = vector.broadcast %le3A_184 : f32 to vector<128x128xf32>
    %le3A_186 = arith.cmpf ole, %dot_general3A_15, %le3A_185 : vector<128x128xf32>
    %gt3A_187 = arith.constant 5.000000e+00 : f32
    %gt3A_188 = vector.broadcast %gt3A_187 : f32 to vector<128x128xf32>
    %gt3A_189 = arith.cmpf ogt, %add3A, %gt3A_188 : vector<128x128xf32>
    %and3A_190 = arith.andi %le3A_186, %gt3A_189 : vector<128x128xi1>
    %jit3A_191 = arith.constant 1.000000e+00 : f32
    %jit3A_192 = arith.constant 0.000000e+00 : f32
    %broadcast_in_dim3A_193 = vector.broadcast %jit3A_191 : f32 to vector<128x128xf32>
    %broadcast_in_dim3A_194 = vector.broadcast %jit3A_192 : f32 to vector<128x128xf32>
    %select_n3A_195 = arith.select %and3A_190, %broadcast_in_dim3A_193, %broadcast_in_dim3A_194 : vector<128x128xi1>, vector<128x128xf32>
    %dot_general3A_196 = arith.constant dense<0.000000e+00> : vector<128x64xf32>
    %dot_general3A_197 = tpu.matmul %select_n3A_195, %get3A_18, %dot_general3A_196 {dimension_numbers = #tpu.dot_dimension_numbers<[1], [0], [0], [1], [0, 0, 1, 1], [], []>, transpose_lhs_hint = false} : vector<128x128xf32>, vector<128x64xf32>, vector<128x64xf32> -> vector<128x64xf32>
    %slice3A_198 = vector.extract_strided_slice %get3A_25 {offsets = [0, 64], sizes = [1, 64], strides = [1, 1]} : vector<1x128xf32> to vector<1x64xf32>
    %dot_general3A_199 = arith.constant dense<0.000000e+00> : vector<128x1xf32>
    %dot_general3A_200 = tpu.matmul %dot_general3A_197, %slice3A_198, %dot_general3A_199 {dimension_numbers = #tpu.dot_dimension_numbers<[1], [1], [0], [0], [0, 0, 1, 0], [], []>, transpose_lhs_hint = false} : vector<128x64xf32>, vector<1x64xf32>, vector<128x1xf32> -> vector<128x1xf32>
    %add3A_201 = arith.addf %dot_general3A_27, %dot_general3A_200 : vector<128x1xf32>
    %add3A_202 = vector.broadcast %get3A_31 : f32 to vector<128x1xf32>
    %add3A_203 = arith.addf %add3A_201, %add3A_202 : vector<128x1xf32>
    %logistic3A_204 = arith.negf %add3A_203 : vector<128x1xf32>
    %logistic3A_205 = math.exp %logistic3A_204 : vector<128x1xf32>
    %logistic3A_206 = arith.constant 1.000000e+00 : f32
    %logistic3A_207 = vector.broadcast %logistic3A_206 : f32 to vector<128x1xf32>
    %logistic3A_208 = arith.addf %logistic3A_207, %logistic3A_205 : vector<128x1xf32>
    %logistic3A_209 = arith.divf %logistic3A_207, %logistic3A_208 : vector<128x1xf32>
    %add3A_210 = arith.addf %add3A_180, %logistic3A_209 : vector<128x1xf32>
    %mul3A_211 = vector.broadcast %logistic3A_209 : vector<128x1xf32> to vector<128x64xf32>
    %mul3A_212 = arith.mulf %mul3A_211, %dot_general3A_197 : vector<128x64xf32>
    %add3A_213 = arith.addf %add3A_183, %mul3A_212 : vector<128x64xf32>
    %le3A_214 = arith.constant 6.000000e+00 : f32
    %le3A_215 = vector.broadcast %le3A_214 : f32 to vector<128x128xf32>
    %le3A_216 = arith.cmpf ole, %dot_general3A_15, %le3A_215 : vector<128x128xf32>
    %gt3A_217 = arith.constant 6.000000e+00 : f32
    %gt3A_218 = vector.broadcast %gt3A_217 : f32 to vector<128x128xf32>
    %gt3A_219 = arith.cmpf ogt, %add3A, %gt3A_218 : vector<128x128xf32>
    %and3A_220 = arith.andi %le3A_216, %gt3A_219 : vector<128x128xi1>
    %jit3A_221 = arith.constant 1.000000e+00 : f32
    %jit3A_222 = arith.constant 0.000000e+00 : f32
    %broadcast_in_dim3A_223 = vector.broadcast %jit3A_221 : f32 to vector<128x128xf32>
    %broadcast_in_dim3A_224 = vector.broadcast %jit3A_222 : f32 to vector<128x128xf32>
    %select_n3A_225 = arith.select %and3A_220, %broadcast_in_dim3A_223, %broadcast_in_dim3A_224 : vector<128x128xi1>, vector<128x128xf32>
    %dot_general3A_226 = arith.constant dense<0.000000e+00> : vector<128x64xf32>
    %dot_general3A_227 = tpu.matmul %select_n3A_225, %get3A_18, %dot_general3A_226 {dimension_numbers = #tpu.dot_dimension_numbers<[1], [0], [0], [1], [0, 0, 1, 1], [], []>, transpose_lhs_hint = false} : vector<128x128xf32>, vector<128x64xf32>, vector<128x64xf32> -> vector<128x64xf32>
    %slice3A_228 = vector.extract_strided_slice %get3A_25 {offsets = [0, 64], sizes = [1, 64], strides = [1, 1]} : vector<1x128xf32> to vector<1x64xf32>
    %dot_general3A_229 = arith.constant dense<0.000000e+00> : vector<128x1xf32>
    %dot_general3A_230 = tpu.matmul %dot_general3A_227, %slice3A_228, %dot_general3A_229 {dimension_numbers = #tpu.dot_dimension_numbers<[1], [1], [0], [0], [0, 0, 1, 0], [], []>, transpose_lhs_hint = false} : vector<128x64xf32>, vector<1x64xf32>, vector<128x1xf32> -> vector<128x1xf32>
    %add3A_231 = arith.addf %dot_general3A_27, %dot_general3A_230 : vector<128x1xf32>
    %add3A_232 = vector.broadcast %get3A_31 : f32 to vector<128x1xf32>
    %add3A_233 = arith.addf %add3A_231, %add3A_232 : vector<128x1xf32>
    %logistic3A_234 = arith.negf %add3A_233 : vector<128x1xf32>
    %logistic3A_235 = math.exp %logistic3A_234 : vector<128x1xf32>
    %logistic3A_236 = arith.constant 1.000000e+00 : f32
    %logistic3A_237 = vector.broadcast %logistic3A_236 : f32 to vector<128x1xf32>
    %logistic3A_238 = arith.addf %logistic3A_237, %logistic3A_235 : vector<128x1xf32>
    %logistic3A_239 = arith.divf %logistic3A_237, %logistic3A_238 : vector<128x1xf32>
    %add3A_240 = arith.addf %add3A_210, %logistic3A_239 : vector<128x1xf32>
    %mul3A_241 = vector.broadcast %logistic3A_239 : vector<128x1xf32> to vector<128x64xf32>
    %mul3A_242 = arith.mulf %mul3A_241, %dot_general3A_227 : vector<128x64xf32>
    %add3A_243 = arith.addf %add3A_213, %mul3A_242 : vector<128x64xf32>
    %le3A_244 = arith.constant 7.000000e+00 : f32
    %le3A_245 = vector.broadcast %le3A_244 : f32 to vector<128x128xf32>
    %le3A_246 = arith.cmpf ole, %dot_general3A_15, %le3A_245 : vector<128x128xf32>
    %gt3A_247 = arith.constant 7.000000e+00 : f32
    %gt3A_248 = vector.broadcast %gt3A_247 : f32 to vector<128x128xf32>
    %gt3A_249 = arith.cmpf ogt, %add3A, %gt3A_248 : vector<128x128xf32>
    %and3A_250 = arith.andi %le3A_246, %gt3A_249 : vector<128x128xi1>
    %jit3A_251 = arith.constant 1.000000e+00 : f32
    %jit3A_252 = arith.constant 0.000000e+00 : f32
    %broadcast_in_dim3A_253 = vector.broadcast %jit3A_251 : f32 to vector<128x128xf32>
    %broadcast_in_dim3A_254 = vector.broadcast %jit3A_252 : f32 to vector<128x128xf32>
    %select_n3A_255 = arith.select %and3A_250, %broadcast_in_dim3A_253, %broadcast_in_dim3A_254 : vector<128x128xi1>, vector<128x128xf32>
    %dot_general3A_256 = arith.constant dense<0.000000e+00> : vector<128x64xf32>
    %dot_general3A_257 = tpu.matmul %select_n3A_255, %get3A_18, %dot_general3A_256 {dimension_numbers = #tpu.dot_dimension_numbers<[1], [0], [0], [1], [0, 0, 1, 1], [], []>, transpose_lhs_hint = false} : vector<128x128xf32>, vector<128x64xf32>, vector<128x64xf32> -> vector<128x64xf32>
    %slice3A_258 = vector.extract_strided_slice %get3A_25 {offsets = [0, 64], sizes = [1, 64], strides = [1, 1]} : vector<1x128xf32> to vector<1x64xf32>
    %dot_general3A_259 = arith.constant dense<0.000000e+00> : vector<128x1xf32>
    %dot_general3A_260 = tpu.matmul %dot_general3A_257, %slice3A_258, %dot_general3A_259 {dimension_numbers = #tpu.dot_dimension_numbers<[1], [1], [0], [0], [0, 0, 1, 0], [], []>, transpose_lhs_hint = false} : vector<128x64xf32>, vector<1x64xf32>, vector<128x1xf32> -> vector<128x1xf32>
    %add3A_261 = arith.addf %dot_general3A_27, %dot_general3A_260 : vector<128x1xf32>
    %add3A_262 = vector.broadcast %get3A_31 : f32 to vector<128x1xf32>
    %add3A_263 = arith.addf %add3A_261, %add3A_262 : vector<128x1xf32>
    %logistic3A_264 = arith.negf %add3A_263 : vector<128x1xf32>
    %logistic3A_265 = math.exp %logistic3A_264 : vector<128x1xf32>
    %logistic3A_266 = arith.constant 1.000000e+00 : f32
    %logistic3A_267 = vector.broadcast %logistic3A_266 : f32 to vector<128x1xf32>
    %logistic3A_268 = arith.addf %logistic3A_267, %logistic3A_265 : vector<128x1xf32>
    %logistic3A_269 = arith.divf %logistic3A_267, %logistic3A_268 : vector<128x1xf32>
    %add3A_270 = arith.addf %add3A_240, %logistic3A_269 : vector<128x1xf32>
    %mul3A_271 = vector.broadcast %logistic3A_269 : vector<128x1xf32> to vector<128x64xf32>
    %mul3A_272 = arith.mulf %mul3A_271, %dot_general3A_257 : vector<128x64xf32>
    %add3A_273 = arith.addf %add3A_243, %mul3A_272 : vector<128x64xf32>
    %add3A_274 = arith.constant 9.99999993E-9 : f32
    %add3A_275 = vector.broadcast %add3A_274 : f32 to vector<128x1xf32>
    %add3A_276 = arith.addf %add3A_270, %add3A_275 : vector<128x1xf32>
    %div3A = vector.broadcast %add3A_276 : vector<128x1xf32> to vector<128x64xf32>
    %div3A_277 = arith.divf %add3A_273, %div3A : vector<128x64xf32>
    %get3A_278 = arith.constant 0 : index
    %get3A_279 = arith.constant 0 : index
    %get3A_280 = vector.load %arg6[%get3A_278, %get3A_279] : memref<128x64xf32, #tpu.memory_space<vmem>>, vector<128x64xf32>
    %dot_general3A_281 = arith.constant dense<0.000000e+00> : vector<128x128xf32>
    %dot_general3A_282 = tpu.matmul %div3A_277, %get3A_280, %dot_general3A_281 {dimension_numbers = #tpu.dot_dimension_numbers<[1], [1], [0], [0], [0, 0, 1, 0], [], []>, transpose_lhs_hint = false} : vector<128x64xf32>, vector<128x64xf32>, vector<128x128xf32> -> vector<128x128xf32>
    %get3A_283 = arith.constant 0 : index
    %get3A_284 = arith.constant 0 : index
    %get3A_285 = vector.load %arg7[%get3A_283, %get3A_284] : memref<1x128xf32, #tpu.memory_space<vmem>>, vector<1x128xf32>
    %add3A_286 = vector.broadcast %get3A_285 : vector<1x128xf32> to vector<128x128xf32>
    %add3A_287 = arith.addf %dot_general3A_282, %add3A_286 : vector<128x128xf32>
    %swap3A = arith.constant 0 : index
    %swap3A_288 = arith.constant 0 : index
    %swap3A_289 = vector.load %arg8[%swap3A, %swap3A_288] : memref<128x128xf32, #tpu.memory_space<vmem>>, vector<128x128xf32>
    tpu.vector_store %arg8[%swap3A, %swap3A_288], %add3A_287 {strides = array<i32>} : memref<128x128xf32, #tpu.memory_space<vmem>>, vector<128x128xf32>,
    %reshape3A = vector.shape_cast %logistic3A_59 : vector<128x1xf32> to vector<1x128xf32>
    %reshape3A_290 = vector.shape_cast %logistic3A_89 : vector<128x1xf32> to vector<1x128xf32>
    %reshape3A_291 = vector.shape_cast %logistic3A_119 : vector<128x1xf32> to vector<1x128xf32>
    %reshape3A_292 = vector.shape_cast %logistic3A_149 : vector<128x1xf32> to vector<1x128xf32>
    %reshape3A_293 = vector.shape_cast %logistic3A_179 : vector<128x1xf32> to vector<1x128xf32>
    %reshape3A_294 = vector.shape_cast %logistic3A_209 : vector<128x1xf32> to vector<1x128xf32>
    %reshape3A_295 = vector.shape_cast %logistic3A_239 : vector<128x1xf32> to vector<1x128xf32>
    %reshape3A_296 = vector.shape_cast %logistic3A_269 : vector<128x1xf32> to vector<1x128xf32>
    %concatenate3A = tpu.concatenate %reshape3A, %reshape3A_290, %reshape3A_291, %reshape3A_292, %reshape3A_293, %reshape3A_294, %reshape3A_295, %reshape3A_296 in 0 : vector<1x128xf32>, vector<1x128xf32>, vector<1x128xf32>, vector<1x128xf32>, vector<1x128xf32>, vector<1x128xf32>, vector<1x128xf32>, vector<1x128xf32> -> vector<8x128xf32>
    %swap3A_297 = arith.constant 0 : index
    %swap3A_298 = arith.constant 0 : index
    %swap3A_299 = vector.load %arg9[%swap3A_297, %swap3A_298] : memref<8x128xf32, #tpu.memory_space<vmem>>, vector<8x128xf32>
    tpu.vector_store %arg9[%swap3A_297, %swap3A_298], %concatenate3A {strides = array<i32>} : memref<8x128xf32, #tpu.memory_space<vmem>>, vector<8x128xf32>,
    return
  }
}

</mosaic_0001>

<sc_bundles>
// kernel: kernel.5.cloned.1.call-start
scs
__scs_entry_jumppad:
0x0: {  	(pc) =	sbr.rel $0x88, $3  }
0x1: {  	(tag) =	ssettag $0x0;
	lr =	simm.s32 $0x1  }
0x2: {  	[smem:$0x3F99] =	sst lr;
	_ =	strace $0xD0000000  }
0x3: {  	_ = 	snop  }
0x4: {  	_ = 	snop  }
0x5: {  	_ = 	snop  }
0x6: {  	_ = 	snop  }
0x7: {  	_ = 	snop  }
__scs_overlays_trampoline_lowered:
0x8: {  	[smem:$0x3FA8] =	sst s0  }
0x9: {  	[smem:$0x3FA9] =	sst s1  }
0xa: {  	[smem:$0x3FAA] =	sst s2  }
0xb: {  	[smem:$0x3FAB] =	sst s3  }
0xc: {  	[smem:$0x3FAC] =	sst s4  }
0xd: {  	[smem:$0x3FAD] =	sst s5  }
0xe: {  	[smem:$0x3FAE] =	sst s6  }
0xf: {  	[smem:$0x3FAF] =	sst s7  }
0x10: {  	[smem:$0x3FB0] =	sst s8  }
0x11: {  	[smem:$0x3FB1] =	sst s9;
	s0 =	simm.s32 @!p0 $0x0  }
0x12: {  	s1 =	sld [smem:$0x3F97];
	s0 =	simm.s32 @p0 $0x1  }
0x13: {  	[smem:$0x3FB2] =	sst s0;
	s0 =	simm.s32 @!p1 $0x0  }
0x14: {  	s2 =	sld [smem:$0x3F96];
	s0 =	simm.s32 @p1 $0x1  }
0x15: {  	[smem:$0x3FB3] =	sst s0;
	s0 =	simm.s32 @!p2 $0x0  }
0x16: {  	s3 =	sld [smem:$0x3FDB];
	s0 =	simm.s32 @p2 $0x1  }
0x17: {  	s4 =	simm.s32 $0x1BF5;
	[smem:$0x3FB5] =	sst s0  }
0x18: {  	s0 =	sld [smem:$0x3F98];
	_ =	swait.ge [sflag:s4], $0x0  }
0x19: {  	s7 =	sld [smem:$0x3F99]  }
0x1a: {  	s8 =	sadd.s32 $0xFFFFE003, lr  }
0x1b: {  	s9 =	sadd.s32 $0xFFFFFEF7, lr;
	s5 =	simm.s32 $0xFFFFFFFF;
	p2 =	slt.u32 s8, $0xFFFFF086  }
0x1c: {  	p1 =	slt.u32 s9, $0xF7A;
	s5 =	simm.s32 @!p2 $0x0  }
0x1d: {  	s5 =	simm.s32 @p1 $0x1;
	p0 =	seq.s32 s7, s2  }
0x1e: {  	s7 =	smul.u32 @!p0 $0xF7A, s2;
	p2 =	seq.s32 @!p0 s5, $0x0  }
0x1f: {  	s9 =	smul.u32 $0xF7A, s1;
	s8 =	simm.s32 @!p0 $0x1BF5;
	p2 =	por !p2, p0  }
0x20: {  	[sflag:s8] =	ssyncset.s32 @!p0 $0xFFFFF086;
	s6 =	sadd.s32 @!p0 s3, s7;
	s7 =	simm.s32 @!p0 $0x108  }
0x21: {  	s3 =	sadd.s32 s3, s9;
	s6 =	sadd.s32 @!p0 $0x88, s6;
	s7 =	simm.s32 @p2 $0x1082  }
0x22: {  	[simem:s7], [sflag:s8] =	dma.local @!p0 [hbm:s6], $0xF7A  }
0x23: {  	s9 =	sor.u32 $0xD0000000, s2;
	s6 =	simm.s32 $0x108;
	_ =	swait.ge @!p0 [sflag:s8], $0x0  }
0x24: {  	s3 =	sadd.s32 $0x88, s3;
	s6 =	simm.s32 @!p1 $0x1082;
	[sflag:s4] =	ssyncset.s32 $0xFFFFF086  }
0x25: {  	[simem:s6], [sflag:s4] =	dma.local [hbm:s3], $0xF7A  }
0x26: {  	[smem:$0x3F99] =	sst s1;
	(tag) =	ssettag s2;
	_ =	strace s9  }
0x27: {  	s1 =	sld [smem:$0x3FA9]  }
0x28: {  	s2 =	sld [smem:$0x3FAA]  }
0x29: {  	s4 =	sld [smem:$0x3FAC]  }
0x2a: {  	p0 =	seq.s32 s5, $0x0;
	s5 =	sld [smem:$0x3FAD]  }
0x2b: {  	s6 =	sld [smem:$0x3FAE]  }
0x2c: {  	s7 =	sld [smem:$0x3FAF]  }
0x2d: {  	s3 =	simm.s32 $0x108;
	s8 =	sld [smem:$0x3FB0]  }
0x2e: {  	s3 =	simm.s32 @!p0 $0x1082;
	s9 =	sld [smem:$0x3FB1]  }
0x2f: {  	lr =	sadd.s32 s0, s3;
	s0 =	sld [smem:$0x3FA8]  }
0x30: {  	s3 =	sld [smem:$0x3FAB]  }
0x31: {  	[smem:$0x3FB4] =	sst s10  }
0x32: {  	s10 =	sld [smem:$0x3FB2];
	_ =	sdelay $0x3  }
0x33: {  	p0 =	seq.s32 s10, $0x1;
	s10 =	sld [smem:$0x3FB4];
	_ =	sdelay $0x3  }
0x34: {  	[smem:$0x3FB4] =	sst s10  }
0x35: {  	s10 =	sld [smem:$0x3FB3];
	_ =	sdelay $0x3  }
0x36: {  	p1 =	seq.s32 s10, $0x1;
	s10 =	sld [smem:$0x3FB4];
	_ =	sdelay $0x3  }
0x37: {  	[smem:$0x3FB4] =	sst s10  }
0x38: {  	s10 =	sld [smem:$0x3FB5]  }
0x39: {  	_ = 	snop;
	(pc) =	sbr.ind lr, $3  }
0x3a: {  	_ = 	snop  }
0x3b: {  	_ = 	snop  }
0x3c: {  	p2 =	seq.s32 s10, $0x1;
	s10 =	sld [smem:$0x3FB4]  }
0x3d: {  	_ =	shalt  }
0x3e: {  	_ =	shalt  }
0x3f: {  	_ =	shalt  }
0x40: {  	_ =	shalt  }
0x41: {  	_ =	shalt  }
0x42: {  	_ =	shalt  }
0x43: {  	_ =	shalt  }
0x44: {  	_ =	shalt  }
0x45: {  	_ =	shalt  }
0x46: {  	_ =	shalt  }
0x47: {  	_ =	shalt  }
0x48: {  	_ =	shalt  }
0x49: {  	_ =	shalt  }
0x4a: {  	_ =	shalt  }
0x4b: {  	_ =	shalt  }
0x4c: {  	_ =	shalt  }
0x4d: {  	_ =	shalt  }
0x4e: {  	_ =	shalt  }
0x4f: {  	_ =	shalt  }
0x50: {  	_ =	shalt  }
0x51: {  	_ =	shalt  }
0x52: {  	_ =	shalt  }
0x53: {  	_ =	shalt  }
0x54: {  	_ =	shalt  }
0x55: {  	_ =	shalt  }
0x56: {  	_ =	shalt  }
0x57: {  	_ =	shalt  }
0x58: {  	_ =	shalt  }
0x59: {  	_ =	shalt  }
0x5a: {  	_ =	shalt  }
0x5b: {  	_ =	shalt  }
0x5c: {  	_ =	shalt  }
0x5d: {  	_ =	shalt  }
0x5e: {  	_ =	shalt  }
0x5f: {  	_ =	shalt  }
0x60: {  	_ =	shalt  }
0x61: {  	_ =	shalt  }
0x62: {  	_ =	shalt  }
0x63: {  	_ =	shalt  }
0x64: {  	_ =	shalt  }
0x65: {  	_ =	shalt  }
0x66: {  	_ =	shalt  }
0x67: {  	_ =	shalt  }
0x68: {  	_ =	shalt  }
0x69: {  	_ =	shalt  }
0x6a: {  	_ =	shalt  }
0x6b: {  	_ =	shalt  }
0x6c: {  	_ =	shalt  }
0x6d: {  	_ =	shalt  }
0x6e: {  	_ =	shalt  }
0x6f: {  	_ =	shalt  }
0x70: {  	_ =	shalt  }
0x71: {  	_ =	shalt  }
0x72: {  	_ =	shalt  }
0x73: {  	_ =	shalt  }
0x74: {  	_ =	shalt  }
0x75: {  	_ =	shalt  }
0x76: {  	_ =	shalt  }
0x77: {  	_ =	shalt  }
0x78: {  	_ =	shalt  }
0x79: {  	_ =	shalt  }
0x7a: {  	_ =	shalt  }
0x7b: {  	_ =	shalt  }
0x7c: {  	_ =	shalt  }
0x7d: {  	_ =	shalt  }
0x7e: {  	_ =	shalt  }
0x7f: {  	_ =	shalt  }
0x80: {  	_ =	shalt  }
0x81: {  	_ =	shalt  }
0x82: {  	_ =	shalt  }
0x83: {  	_ =	shalt  }
0x84: {  	_ =	shalt  }
0x85: {  	_ =	shalt  }
0x86: {  	_ =	shalt  }
0x87: {  	_ =	shalt  }
.Lfunc_end0:
.L_simem_size_0:
called_computation_lowered:
.L_overlay_start_0:
0x88: {  	s2 =	sld [smem:$0x3FD9]  }
0x89: {  	s3 =	sld [smem:$0x3FFE];
	_ =	sdelay $0x1  }
0x8a: {  	s1 =	srdreg.scid  }
0x8b: {  	s0 =	sand.u32 $0x1, s1  }
0x8c: {  	s15 =	sshll.u32 s0, $0xA;
	s2 =	sadd.s32 s3, s2  }
0x8d: {  	s2 =	sadd.s32 s2, s15  }
0x8e: {  	[smem:$0x3FC0] =	sst s2  }
0x8f: {  	_ = 	snop  }
0x90: {  	s2 =	sld [smem:$0x3FD0];
	_ =	sdelay $0x2  }
0x91: {  	s4 =	simm.s32 $0xA;
	s5 =	simm.s32 $0x10;
	s16 =	sld [smem:$0x3FC9]  }
0x92: {  	[smem:s5], [sflag:s4] =	dma.local [hbm:s2], $0x1  }
0x93: {  	_ =	swait.eq [sflag:s4], $0x1  }
0x94: {  	s17 =	sld [smem:$0x10];
	[sflag:s4] =	ssyncset.done $0x0  }
0x95: {  	s18 =	sld [smem:$0x11];
	[sflag:s4] =	ssyncadd.s32 $0xFFFFFFFF  }
0x96: {  	s19 =	sld [smem:$0x12];
	(tm) =	ssettm $0x1  }
0x97: {  	s6 =	sld [smem:$0x3FFB];
	_ =	sdelay $0x3  }
0x98: {  	_ =	strace s6  }
0x99: {  	s6 =	sld [smem:$0x3FFC];
	_ =	sdelay $0x3  }
0x9a: {  	_ =	strace s6  }
0x9b: {  	s6 =	sld [smem:$0x3FFD];
	_ =	sdelay $0x3  }
0x9c: {  	_ =	strace s6  }
0x9d: {  	_ =	strace $0x8FFFFFFF  }
0x9e: {  	s20 =	sld [smem:$0x3FDB];
	_ =	sdelay $0x1  }
0x9f: {  	s7 =	simm.s32 $_scs_section_size  }
0xa0: {  	s8 =	simm.s32 $_size__tile_overlayer_lowered;
	s9 =	simm.s32 $_tile_overlayer_lowered  }
0xa1: {  	s23 =	simm.s32 $0x1BFF;
	s22 =	sshll.u32 s9, $0x1;
	s6 =	sadd.s32 s7, s20  }
0xa2: {  	s10 =	simm.s32 $0x0;
	s21 =	sshll.u32 s8, $0x1;
	s8 =	sadd.s32 s22, s6  }
0xa3: {  	[timem:s10], [sflag:s23] =	dma.local [hbm:s8], s21  }
0xa4: {  	_ =	swait.ge [sflag:s23], s21  }
0xa5: {  	s7 =	ssub.s32 $0x0, s21;
	[sflag:s23] =	ssyncset.done $0x0  }
0xa6: {  	[sflag:s23] =	ssyncadd.s32 s7;
	_ =	sdelay $0x1  }
0xa7: {  	s24 =	simm.s32 $0x1B8B  }
0xa8: {  	_ =	swait.ge [sflag:s24], $0x1  }
0xa9: {  	[sflag:s24] =	ssyncset.done $0x0  }
0xaa: {  	s25 =	simm.s32 $0x1B8E;
	[sflag:s24] =	ssyncadd.s32 $0xFFFFFFFF  }
0xab: {  	s26 =	simm.s32 $execute0_lowered;
	[smem:$0x3FD2] =	sst s25  }
0xac: {  	s7 =	sshll.u32 s26, $0x1;
	_ =	strace $0x80000046;
	[dreg:$0x1] =	wrdreg $0xFFFFFFFF  }
0xad: {  	s28 =	simm.s32 $_size_execute0_lowered;
	s6 =	sadd.s32 s6, s7;
	[dreg:$0x0] =	wrdreg $0x0  }
0xae: {  	s7 =	sshll.u32 s28, $0x1;
	[dreg:$0x2] =	wrdreg s6  }
0xaf: {  	[dreg:$0x3] =	wrdreg s7  }
0xb0: {  	[dreg:$0x4] =	wrdreg $0xC0  }
0xb1: {  	_ =	task [dreg:s10], $0x5FFFF  }
0xb2: {  	[dreg:$0x1] =	wrdreg $0xFFFFFFFF  }
0xb3: {  	[dreg:$0x0] =	wrdreg $0x60  }
0xb4: {  	[dreg:$0x2] =	wrdreg s16  }
0xb5: {  	[dreg:$0x3] =	wrdreg s19  }
0xb6: {  	[dreg:$0x4] =	wrdreg s18  }
0xb7: {  	[dreg:$0x5] =	wrdreg s17  }
0xb8: {  	[dreg:$0x6] =	wrdreg $0x9  }
0xb9: {  	_ =	task.clear_ibuf [dreg:s10], $0x7FFFF;
	_ =	strace $0x90000046  }
0xba: {  	s29 =	simm.s32 $0x9;
	_ =	strace $0x80000048  }
0xbb: {  	_ =	swait.ge [sflag:s29], $0x1  }
0xbc: {  	[sflag:s29] =	ssyncadd.s32 $0xFFFFFFFF  }
0xbd: {  	_ =	strace $0x90000048  }
0xbe: {  	_ =	sfence  }
0xbf: {  	s30 =	sld [smem:$0x0];
	_ =	sdelay $0x2  }
0xc0: {  	s31 =	sshll.u32 s1, $0xD;
	s1 =	sshrl.u32 s1, $0x2  }
0xc1: {  	s3 =	sand.u32 $0x4000, s31;
	s1 =	sadd.s32 s1, s30  }
0xc2: {  	s0 =	sor.u32 s3, s0;
	s1 =	sshll.u32 s1, $0x11  }
0xc3: {  	s0 =	sor.u32 s1, s0  }
0xc4: {  	s0 =	sadd.s32 $0x8F2B, s0  }
0xc5: {  	[sflag:s0] =	ssyncadd.remote.s32 $0x1  }
0xc6: {  	_ =	sfence.sel $0xFFFF  }
0xc7: {  	[dreg:$0x0] =	wrdreg $0xFFFFFFFF;
	(pc) =	sbr.abs _section_cstart, $3  }
0xc8: {  	[dreg:$0x1] =	wrdreg $0xFFFFFFFF  }
0xc9: {  	_ =	task.clear_ibuf [dreg:s10], $0x2FFFF;
	_ =	strace $0x9FFFFFFF  }
0xca: {  	(tm) =	ssettm $0x7FFFFFFF  }
0xcb: {  	_ =	shalt  }
tec
execute0_lowered:
.L_overlay_start_1:
0x0: {  	(tag) =	ssettag $0x1  }
0x1: {  	s11 =	rddreg [dreg:$0x0]  }
0x2: {  	s1 =	rddreg [dreg:$0x1]  }
0x3: {  	s14 =	rddreg [dreg:$0x2]  }
0x4: {  	s15 =	rddreg [dreg:$0x3]  }
0x5: {  	s0 =	rddreg [dreg:$0x4];
	s2 =	simm.s32 $0x0  }
0x6: {  	s3 =	srdreg.scid;
	s21 =	simm.s32 $0x2;
	s22 =	simm.s32 $0x3  }
0x7: {  	s23 =	simm.s32 $0x4;
	s24 =	simm.s32 $0x0;
	[smem:$0x7FF] =	sst s2  }
0x8: {  	s4 =	sand.u32 $0x1, s3;
	s3 =	stileid.u32;
	_ =	strace $0x80000047  }
0x9: {  	s5 =	ssub.s32 $0x2, s4;
	s8 =	sshll.u32 s4, $0x9;
	s9 =	sshll.u32 s3, $0x10  }
0xa: {  	s12 =	sshll.u32 s3, $0xA;
	s6 =	sshrl.u32 s5, $0x1;
	s4 =	sor.u32 s8, s9  }
0xb: {  	s10 =	sor.u32 $0x80, s8;
	s7 =	sor.u32 s8, s12;
	s17 =	sor.u32 $0x100, s8  }
0xc: {  	s19 =	sor.u32 $0x180, s8;
	s16 =	ssub.s32 s5, s6;
	s28 =	sshrl.u32 s4, $0x3  }
0xd: {  	s29 =	sor.u32 s9, s10;
	s7 =	sshrl.u32 s7, $0x3;
	s18 =	sor.u32 s9, s17  }
0xe: {  	s10 =	sor.u32 s12, s10;
	s20 =	sor.u32 s9, s19;
	s30 =	sor.u32 s12, s17  }
0xf: {  	s31 =	sor.u32 s12, s19;
	s19 =	simm.s32 $0x1;
	s4 =	sadd.s32 s11, s28  }
0x10: {  	s13 =	sshrl.u32 s29, $0x3;
	s6 =	sadd.s32 s14, s28;
	s7 =	sadd.s32 s15, s7  }
0x11: {  	s18 =	sshrl.u32 s18, $0x3;
	s10 =	sshrl.u32 s10, $0x3;
	s20 =	sshrl.u32 s20, $0x3  }
0x12: {  	s17 =	sshrl.u32 s31, $0x3;
	s16 =	smax.u32 s16, $0x1;
	s5 =	sadd.s32 s11, s13  }
0x13: {  	s8 =	sadd.s32 s11, s18;
	s9 =	sadd.s32 s14, s13;
	s10 =	sadd.s32 s15, s10  }
0x14: {  	s11 =	sadd.s32 s11, s20;
	s12 =	sadd.s32 s14, s18;
	s13 =	sshrl.u32 s30, $0x3  }
0x15: {  	s14 =	sadd.s32 s14, s20;
	s18 =	simm.s32 $0x5;
	s20 =	simm.s32 $0x8080  }
0x16: {  	v0 =	vimm.f32 $0.0e+00;
	v1 =	vimm.f32 $1.000000000e+00;
	s13 =	sadd.s32 s15, s13;
	s15 =	sadd.s32 s15, s17;
	s17 =	simm.s32 $0x8000  }
.LBB2_1:
0x17: {  	[tilespmem:s17], [sflag:$0x5] =	stream.linear.gather [hbm4b:s1+s2], $0x80, $0x38;
	[tilespmem:$0x8100] =	vst v63  }
0x18: {  	_ =	swait.ge [sflag:s18], $0x80  }
0x19: {  	s25 =	simm.s32 $0x80;
	s29 =	sadd.s32 $0x0, s4;
	[sflag:s18] =	ssyncset.done $0x0  }
0x1a: {  	s26 =	simm.s32 $0x100;
	s28 =	simm.s32 $0x0;
	[sflag:s18] =	ssyncadd.s32 $0xFFFFFF80  }
.LBB2_2:
0x1b: {  	[tilespmem:s28], [sflag:$0x1] =	stream.linear.gather [hbm4b:s29+s2], $0x80, $0x38;
	[tilespmem:$0x8100] =	vst v63  }
0x1c: {  	s29 =	smov.u32 s25;
	s28 =	smov.u32 s26;
	p0 =	sne.s32 s25, $0x1F80  }
.Ltmp0:
0x1d: {  	s25 =	sadd.s32 $0x80, s25;
	(pc) =	sbr.rel @p0 .LBB2_2-.Ltmp0, $2  }
0x1e: {  	_ =	sdelay $0x2  }
0x1f: {  	s26 =	sadd.s32 $0x100, s26;
	s29 =	sadd.s32 s29, s4  }
0x20: {  	[tilespmem:s28], [sflag:$0x1] =	stream.linear.gather [hbm4b:s29+s2], $0x80, $0x38;
	[tilespmem:$0x8100] =	vst v63  }
0x21: {  	s25 =	simm.s32 $0x80  }
0x22: {  	s26 =	simm.s32 $0x80;
	s29 =	sadd.s32 $0x0, s5;
	s28 =	simm.s32 $0x180  }
.LBB2_4:
0x23: {  	[tilespmem:s25], [sflag:$0x2] =	stream.linear.gather [hbm4b:s29+s2], $0x80, $0x38;
	[tilespmem:$0x8100] =	vst v63  }
0x24: {  	s29 =	smov.u32 s26;
	s25 =	smov.u32 s28;
	p0 =	sne.s32 s26, $0x1F80  }
.Ltmp1:
0x25: {  	s26 =	sadd.s32 $0x80, s26;
	(pc) =	sbr.rel @p0 .LBB2_4-.Ltmp1, $2  }
0x26: {  	_ =	sdelay $0x2  }
0x27: {  	s28 =	sadd.s32 $0x100, s28;
	s29 =	sadd.s32 s29, s5  }
0x28: {  	[tilespmem:s25], [sflag:$0x2] =	stream.linear.gather [hbm4b:s29+s2], $0x80, $0x38;
	[tilespmem:$0x8100] =	vst v63  }
0x29: {  	_ =	swait.ge [sflag:s19], $0x2000  }
0x2a: {  	[sflag:s19] =	ssyncset.done $0x0  }
0x2b: {  	[sflag:s19] =	ssyncadd.s32 $0xFFFFE000  }
0x2c: {  	[tilespmem:$0x8080] =	vst v0  }
0x2d: {  	[tilespmem:$0x8090] =	vst v0  }
0x2e: {  	[tilespmem:$0x80A0] =	vst v0  }
0x2f: {  	[tilespmem:$0x80B0] =	vst v0  }
0x30: {  	[tilespmem:$0x80C0] =	vst v0  }
0x31: {  	[tilespmem:$0x80D0] =	vst v0  }
0x32: {  	[tilespmem:$0x80E0] =	vst v0  }
0x33: {  	s25 =	simm.s32 $0x100;
	[tilespmem:$0x80F0] =	vst v0  }
0x34: {  	v3 =	vld [tilespmem:s25+$0xFFFFFF30]  }
0x35: {  	v5 =	vld [tilespmem:s25+$0xFFFFFF50]  }
0x36: {  	v6 =	vld [tilespmem:s25+$0xFFFFFF40]  }
0x37: {  	v10 =	vld [tilespmem:s25+$0x70]  }
0x38: {  	v7 =	vld [tilespmem:s25+$0xFFFFFF60]  }
0x39: {  	v2 =	vld [tilespmem:s25+$0xFFFFFF20]  }
0x3a: {  	v4 =	vld [tilespmem:s25+$0xFFFFFF10]  }
0x3b: {  	v8 =	vld [tilespmem:s25+$0x10]  }
0x3c: {  	v11 =	vld [tilespmem:s25+$0xFFFFFF00]  }
0x3d: {  	v15 =	vld [tilespmem:s25+$0xFFFFFF70]  }
0x3e: {  	v9 =	vld [tilespmem:s25+$0x60]  }
0x3f: {  	v13 =	vld [tilespmem:s25+$0x50]  }
0x40: {  	v14 =	vld [tilespmem:s25+$0x40]  }
0x41: {  	v16 =	vld [tilespmem:s25+$0x30]  }
0x42: {  	v17 =	vld [tilespmem:s25+$0x20]  }
0x43: {  	v19 =	vld [tilespmem:s25+$0x0]  }
0x44: {  	v12 =	vld.idx.msk [tilespmem:v6+s17+$0x0], $0xffff  }
0x45: {  	v18 =	vld.idx.msk [tilespmem:v11+s17+$0x0], $0xffff  }
0x46: {  	v20 =	vld.idx.msk [tilespmem:v10+s17+$0x0], $0xffff  }
0x47: {  	v22 =	vld.idx.msk [tilespmem:v13+s17+$0x0], $0xffff  }
0x48: {  	s26 =	simm.s32 $0x4100;
	v21 =	vld.idx.msk [tilespmem:v9+s17+$0x0], $0xffff  }
0x49: {  	v61 =	vld.idx.msk [tilespmem:v16+s17+$0x0], $0xffff;
	[tilespmem:s26+$0xFFFFFF40] =	vst v12  }
0x4a: {  	v62 =	vld.idx.msk [tilespmem:v15+s17+$0x0], $0xffff;
	[tilespmem:s26+$0xFFFFFF00] =	vst v18  }
0x4b: {  	v63 =	vld.idx.msk [tilespmem:v19+s17+$0x0], $0xffff;
	[tilespmem:s26+$0x70] =	vst v20  }
0x4c: {  	v12 =	vld.idx.msk [tilespmem:v14+s17+$0x0], $0xffff;
	[tilespmem:s26+$0x50] =	vst v22  }
0x4d: {  	[tilespmem:v11+s20+$0x0] =	vst.idx.add.f32.msk $0xffff, v1  }
0x4e: {  	[tilespmem:s26+$0x30] =	vst v61;
	v11 =	vld.idx.msk [tilespmem:v17+s17+$0x0], $0xffff  }
0x4f: {  	[tilespmem:v10+s20+$0x0] =	vst.idx.add.f32.msk $0xffff, v1  }
0x50: {  	[tilespmem:s26+$0x0] =	vst v63;
	v10 =	vld.idx.msk [tilespmem:v7+s17+$0x0], $0xffff  }
0x51: {  	[tilespmem:v13+s20+$0x0] =	vst.idx.add.f32.msk $0xffff, v1  }
0x52: {  	[tilespmem:v16+s20+$0x0] =	vst.idx.add.f32.msk $0xffff, v1  }
0x53: {  	[tilespmem:s26+$0xFFFFFF70] =	vst v62;
	v13 =	vld.idx.msk [tilespmem:v8+s17+$0x0], $0xffff  }
0x54: {  	[tilespmem:v19+s20+$0x0] =	vst.idx.add.f32.msk $0xffff, v1  }
0x55: {  	[tilespmem:v15+s20+$0x0] =	vst.idx.add.f32.msk $0xffff, v1  }
0x56: {  	[tilespmem:s26+$0x40] =	vst v12;
	v12 =	vld.idx.msk [tilespmem:v5+s17+$0x0], $0xffff  }
0x57: {  	[tilespmem:v14+s20+$0x0] =	vst.idx.add.f32.msk $0xffff, v1  }
0x58: {  	[tilespmem:s26+$0x60] =	vst v21;
	v14 =	vld.idx.msk [tilespmem:v3+s17+$0x0], $0xffff  }
0x59: {  	[tilespmem:s26+$0x20] =	vst v11;
	v11 =	vld.idx.msk [tilespmem:v4+s17+$0x0], $0xffff  }
0x5a: {  	s29 =	simm.s32 $0x0;
	s28 =	simm.s32 $0x4100;
	[tilespmem:v17+s20+$0x0] =	vst.idx.add.f32.msk $0xffff, v1  }
.LBB2_6:
0x5b: {  	s29 =	sadd.s32 $0x10, s29;
	[tilespmem:v9+s20+$0x0] =	vst.idx.add.f32.msk $0xffff, v1;
	s26 =	sadd.s32 $0x200, s26;
	s25 =	sadd.s32 $0x200, s25  }
0x5c: {  	v9 =	vld [tilespmem:s25+$0xFFFFFF30];
	p0 =	slt.u32 s29, $0x1F0;
	[tilespmem:s28+$0xFFFFFF50] =	vst v12  }
0x5d: {  	v12 =	vld [tilespmem:s25+$0xFFFFFF50];
	[tilespmem:s28+$0xFFFFFF30] =	vst v14  }
0x5e: {  	v14 =	vld.idx.msk [tilespmem:v2+s17+$0x0], $0xffff;
	[tilespmem:s28+$0xFFFFFF60] =	vst v10  }
0x5f: {  	[tilespmem:v6+s20+$0x0] =	vst.idx.add.f32.msk $0xffff, v1  }
0x60: {  	[tilespmem:v5+s20+$0x0] =	vst.idx.add.f32.msk $0xffff, v1  }
0x61: {  	[tilespmem:v7+s20+$0x0] =	vst.idx.add.f32.msk $0xffff, v1  }
0x62: {  	[tilespmem:v3+s20+$0x0] =	vst.idx.add.f32.msk $0xffff, v1;
	v3 =	vmov v9;
	v5 =	vmov v12  }
0x63: {  	v6 =	vld [tilespmem:s25+$0xFFFFFF40];
	[tilespmem:s28+$0x10] =	vst v13  }
0x64: {  	[tilespmem:v8+s20+$0x0] =	vst.idx.add.f32.msk $0xffff, v1  }
0x65: {  	v10 =	vld [tilespmem:s25+$0x70];
	[tilespmem:s28+$0xFFFFFF20] =	vst v14  }
0x66: {  	v7 =	vld [tilespmem:s25+$0xFFFFFF60];
	[tilespmem:s28+$0xFFFFFF10] =	vst v11;
	s28 =	smov.u32 s26  }
0x67: {  	[tilespmem:v4+s20+$0x0] =	vst.idx.add.f32.msk $0xffff, v1  }
0x68: {  	[tilespmem:v2+s20+$0x0] =	vst.idx.add.f32.msk $0xffff, v1  }
0x69: {  	v2 =	vld [tilespmem:s25+$0xFFFFFF20]  }
0x6a: {  	v4 =	vld [tilespmem:s25+$0xFFFFFF10]  }
0x6b: {  	v8 =	vld [tilespmem:s25+$0x10]  }
0x6c: {  	v11 =	vld [tilespmem:s25+$0xFFFFFF00]  }
0x6d: {  	v15 =	vld [tilespmem:s25+$0xFFFFFF70]  }
0x6e: {  	v12 =	vld.idx.msk [tilespmem:v6+s17+$0x0], $0xffff  }
0x6f: {  	v9 =	vld [tilespmem:s25+$0x60]  }
0x70: {  	v13 =	vld [tilespmem:s25+$0x50]  }
0x71: {  	v14 =	vld [tilespmem:s25+$0x40]  }
0x72: {  	v16 =	vld [tilespmem:s25+$0x30]  }
0x73: {  	v17 =	vld [tilespmem:s25+$0x20]  }
0x74: {  	v18 =	vld.idx.msk [tilespmem:v11+s17+$0x0], $0xffff;
	[tilespmem:s26+$0xFFFFFF40] =	vst v12  }
0x75: {  	v19 =	vld [tilespmem:s25+$0x0]  }
0x76: {  	v12 =	vld.idx.msk [tilespmem:v10+s17+$0x0], $0xffff  }
0x77: {  	v20 =	vld.idx.msk [tilespmem:v9+s17+$0x0], $0xffff  }
0x78: {  	v21 =	vld.idx.msk [tilespmem:v13+s17+$0x0], $0xffff  }
0x79: {  	v22 =	vld.idx.msk [tilespmem:v14+s17+$0x0], $0xffff  }
0x7a: {  	[tilespmem:s26+$0xFFFFFF00] =	vst v18;
	v18 =	vld.idx.msk [tilespmem:v16+s17+$0x0], $0xffff  }
0x7b: {  	[tilespmem:v11+s20+$0x0] =	vst.idx.add.f32.msk $0xffff, v1  }
0x7c: {  	v11 =	vld.idx.msk [tilespmem:v17+s17+$0x0], $0xffff;
	[tilespmem:s26+$0x70] =	vst v12  }
0x7d: {  	[tilespmem:v10+s20+$0x0] =	vst.idx.add.f32.msk $0xffff, v1  }
0x7e: {  	v23 =	vld.idx.msk [tilespmem:v15+s17+$0x0], $0xffff;
	[tilespmem:s26+$0x50] =	vst v21  }
0x7f: {  	v10 =	vld.idx.msk [tilespmem:v7+s17+$0x0], $0xffff;
	[tilespmem:s26+$0x40] =	vst v22  }
0x80: {  	v21 =	vld.idx.msk [tilespmem:v19+s17+$0x0], $0xffff;
	[tilespmem:s26+$0x30] =	vst v18  }
0x81: {  	v12 =	vld.idx.msk [tilespmem:v5+s17+$0x0], $0xffff;
	[tilespmem:s26+$0x60] =	vst v20  }
0x82: {  	[tilespmem:v13+s20+$0x0] =	vst.idx.add.f32.msk $0xffff, v1  }
0x83: {  	[tilespmem:v14+s20+$0x0] =	vst.idx.add.f32.msk $0xffff, v1  }
0x84: {  	v14 =	vld.idx.msk [tilespmem:v3+s17+$0x0], $0xffff;
	[tilespmem:s26+$0x20] =	vst v11  }
0x85: {  	[tilespmem:v16+s20+$0x0] =	vst.idx.add.f32.msk $0xffff, v1  }
.Ltmp2:
0x86: {  	[tilespmem:v17+s20+$0x0] =	vst.idx.add.f32.msk $0xffff, v1;
	(pc) =	sbr.rel @p0 .LBB2_6-.Ltmp2, $4  }
0x87: {  	v11 =	vld.idx.msk [tilespmem:v4+s17+$0x0], $0xffff;
	[tilespmem:s26+$0x0] =	vst v21  }
0x88: {  	[tilespmem:s26+$0xFFFFFF70] =	vst v23;
	v13 =	vld.idx.msk [tilespmem:v8+s17+$0x0], $0xffff  }
0x89: {  	[tilespmem:v19+s20+$0x0] =	vst.idx.add.f32.msk $0xffff, v1  }
0x8a: {  	[tilespmem:v15+s20+$0x0] =	vst.idx.add.f32.msk $0xffff, v1  }
0x8b: {  	_ =	sdelay $0x3  }
0x8c: {  	[tilespmem:v9+s20+$0x0] =	vst.idx.add.f32.msk $0xffff, v1  }
0x8d: {  	[tilespmem:s28+$0xFFFFFF50] =	vst v12  }
0x8e: {  	[tilespmem:s28+$0xFFFFFF30] =	vst v14  }
0x8f: {  	v63 =	vld.idx.msk [tilespmem:v2+s17+$0x0], $0xffff;
	[tilespmem:s28+$0xFFFFFF60] =	vst v10  }
0x90: {  	[tilespmem:v6+s20+$0x0] =	vst.idx.add.f32.msk $0xffff, v1  }
0x91: {  	[tilespmem:v5+s20+$0x0] =	vst.idx.add.f32.msk $0xffff, v1  }
0x92: {  	[tilespmem:v7+s20+$0x0] =	vst.idx.add.f32.msk $0xffff, v1  }
0x93: {  	[tilespmem:v3+s20+$0x0] =	vst.idx.add.f32.msk $0xffff, v1  }
0x94: {  	[tilespmem:s28+$0xFFFFFF10] =	vst v11  }
0x95: {  	[tilespmem:s28+$0x10] =	vst v13  }
0x96: {  	[tilespmem:v4+s20+$0x0] =	vst.idx.add.f32.msk $0xffff, v1  }
0x97: {  	[tilespmem:v8+s20+$0x0] =	vst.idx.add.f32.msk $0xffff, v1  }
0x98: {  	s25 =	simm.s32 $0x4000;
	[tilespmem:s28+$0xFFFFFF20] =	vst v63  }
0x99: {  	s26 =	simm.s32 $0x80;
	s29 =	sadd.s32 $0x0, s6;
	s28 =	simm.s32 $0x4100;
	[tilespmem:v2+s20+$0x0] =	vst.idx.add.f32.msk $0xffff, v1  }
.LBB2_8:
0x9a: {  	[hbm4b:s29+s2] =	stream.linear.scatter [tilespmem:s25], [sflag:$0x3], $0x80, $0x38;
	[tilespmem:$0x8100] =	vst v63  }
0x9b: {  	s29 =	smov.u32 s26;
	s25 =	smov.u32 s28;
	p0 =	sne.s32 s26, $0x1F80  }
.Ltmp3:
0x9c: {  	s26 =	sadd.s32 $0x80, s26;
	(pc) =	sbr.rel @p0 .LBB2_8-.Ltmp3, $2  }
0x9d: {  	_ =	sdelay $0x2  }
0x9e: {  	s28 =	sadd.s32 $0x100, s28;
	s29 =	sadd.s32 s29, s6  }
0x9f: {  	[hbm4b:s29+s2] =	stream.linear.scatter [tilespmem:s25], [sflag:$0x3], $0x80, $0x38;
	[tilespmem:$0x8100] =	vst v63  }
0xa0: {  	s25 =	simm.s32 $0x0  }
0xa1: {  	[hbm4b:s7+s25] =	stream.linear.scatter [tilespmem:s20], [sflag:$0x5], $0x80, $0x38;
	[tilespmem:$0x8100] =	vst v63  }
0xa2: {  	_ =	swait.ge [sflag:s18], $0x80  }
0xa3: {  	s26 =	simm.s32 $0x80;
	[sflag:s18] =	ssyncset.done $0x0  }
0xa4: {  	s29 =	sadd.s32 $0x0, s8;
	s28 =	simm.s32 $0x100;
	[sflag:s18] =	ssyncadd.s32 $0xFFFFFF80  }
.LBB2_10:
0xa5: {  	[tilespmem:s25], [sflag:$0x1] =	stream.linear.gather [hbm4b:s29+s2], $0x80, $0x38;
	[tilespmem:$0x8100] =	vst v63  }
0xa6: {  	s29 =	smov.u32 s26;
	s25 =	smov.u32 s28;
	p0 =	sne.s32 s26, $0x1F80  }
.Ltmp4:
0xa7: {  	s26 =	sadd.s32 $0x80, s26;
	(pc) =	sbr.rel @p0 .LBB2_10-.Ltmp4, $2  }
0xa8: {  	_ =	sdelay $0x2  }
0xa9: {  	s28 =	sadd.s32 $0x100, s28;
	s29 =	sadd.s32 s29, s8  }
0xaa: {  	[tilespmem:s25], [sflag:$0x1] =	stream.linear.gather [hbm4b:s29+s2], $0x80, $0x38;
	[tilespmem:$0x8100] =	vst v63  }
0xab: {  	_ =	swait.ge [sflag:s21], $0x2000  }
0xac: {  	[sflag:s21] =	ssyncset.done $0x0  }
0xad: {  	[sflag:s21] =	ssyncadd.s32 $0xFFFFE000  }
0xae: {  	[tilespmem:$0x8080] =	vst v0  }
0xaf: {  	[tilespmem:$0x8090] =	vst v0  }
0xb0: {  	[tilespmem:$0x80A0] =	vst v0  }
0xb1: {  	[tilespmem:$0x80B0] =	vst v0  }
0xb2: {  	[tilespmem:$0x80C0] =	vst v0  }
0xb3: {  	[tilespmem:$0x80D0] =	vst v0  }
0xb4: {  	[tilespmem:$0x80E0] =	vst v0  }
0xb5: {  	s25 =	simm.s32 $0x180;
	[tilespmem:$0x80F0] =	vst v0  }
0xb6: {  	v3 =	vld [tilespmem:s25+$0xFFFFFF30]  }
0xb7: {  	v5 =	vld [tilespmem:s25+$0xFFFFFF50]  }
0xb8: {  	v6 =	vld [tilespmem:s25+$0xFFFFFF40]  }
0xb9: {  	v10 =	vld [tilespmem:s25+$0x70]  }
0xba: {  	v7 =	vld [tilespmem:s25+$0xFFFFFF60]  }
0xbb: {  	v2 =	vld [tilespmem:s25+$0xFFFFFF20]  }
0xbc: {  	v4 =	vld [tilespmem:s25+$0xFFFFFF10]  }
0xbd: {  	v8 =	vld [tilespmem:s25+$0x10]  }
0xbe: {  	v11 =	vld [tilespmem:s25+$0xFFFFFF00]  }
0xbf: {  	v15 =	vld [tilespmem:s25+$0xFFFFFF70]  }
0xc0: {  	v9 =	vld [tilespmem:s25+$0x60]  }
0xc1: {  	v13 =	vld [tilespmem:s25+$0x50]  }
0xc2: {  	v14 =	vld [tilespmem:s25+$0x40]  }
0xc3: {  	v16 =	vld [tilespmem:s25+$0x30]  }
0xc4: {  	v17 =	vld [tilespmem:s25+$0x20]  }
0xc5: {  	v19 =	vld [tilespmem:s25+$0x0]  }
0xc6: {  	v12 =	vld.idx.msk [tilespmem:v6+s17+$0x0], $0xffff  }
0xc7: {  	v18 =	vld.idx.msk [tilespmem:v11+s17+$0x0], $0xffff  }
0xc8: {  	v20 =	vld.idx.msk [tilespmem:v10+s17+$0x0], $0xffff  }
0xc9: {  	v22 =	vld.idx.msk [tilespmem:v13+s17+$0x0], $0xffff  }
0xca: {  	s26 =	simm.s32 $0x4180;
	v21 =	vld.idx.msk [tilespmem:v9+s17+$0x0], $0xffff  }
0xcb: {  	v61 =	vld.idx.msk [tilespmem:v16+s17+$0x0], $0xffff;
	[tilespmem:s26+$0xFFFFFF40] =	vst v12  }
0xcc: {  	v62 =	vld.idx.msk [tilespmem:v15+s17+$0x0], $0xffff;
	[tilespmem:s26+$0xFFFFFF00] =	vst v18  }
0xcd: {  	v63 =	vld.idx.msk [tilespmem:v19+s17+$0x0], $0xffff;
	[tilespmem:s26+$0x70] =	vst v20  }
0xce: {  	v12 =	vld.idx.msk [tilespmem:v14+s17+$0x0], $0xffff;
	[tilespmem:s26+$0x50] =	vst v22  }
0xcf: {  	[tilespmem:v11+s20+$0x0] =	vst.idx.add.f32.msk $0xffff, v1  }
0xd0: {  	[tilespmem:s26+$0x30] =	vst v61;
	v11 =	vld.idx.msk [tilespmem:v17+s17+$0x0], $0xffff  }
0xd1: {  	[tilespmem:v10+s20+$0x0] =	vst.idx.add.f32.msk $0xffff, v1  }
0xd2: {  	[tilespmem:s26+$0x0] =	vst v63;
	v10 =	vld.idx.msk [tilespmem:v7+s17+$0x0], $0xffff  }
0xd3: {  	[tilespmem:v13+s20+$0x0] =	vst.idx.add.f32.msk $0xffff, v1  }
0xd4: {  	[tilespmem:v16+s20+$0x0] =	vst.idx.add.f32.msk $0xffff, v1  }
0xd5: {  	[tilespmem:s26+$0xFFFFFF70] =	vst v62;
	v13 =	vld.idx.msk [tilespmem:v8+s17+$0x0], $0xffff  }
0xd6: {  	[tilespmem:v19+s20+$0x0] =	vst.idx.add.f32.msk $0xffff, v1  }
0xd7: {  	[tilespmem:v15+s20+$0x0] =	vst.idx.add.f32.msk $0xffff, v1  }
0xd8: {  	[tilespmem:s26+$0x40] =	vst v12;
	v12 =	vld.idx.msk [tilespmem:v5+s17+$0x0], $0xffff  }
0xd9: {  	[tilespmem:v14+s20+$0x0] =	vst.idx.add.f32.msk $0xffff, v1  }
0xda: {  	[tilespmem:s26+$0x60] =	vst v21;
	v14 =	vld.idx.msk [tilespmem:v3+s17+$0x0], $0xffff  }
0xdb: {  	[tilespmem:s26+$0x20] =	vst v11;
	v11 =	vld.idx.msk [tilespmem:v4+s17+$0x0], $0xffff  }
0xdc: {  	s29 =	simm.s32 $0x0;
	s28 =	simm.s32 $0x4180;
	[tilespmem:v17+s20+$0x0] =	vst.idx.add.f32.msk $0xffff, v1  }
.LBB2_12:
0xdd: {  	s29 =	sadd.s32 $0x10, s29;
	[tilespmem:v9+s20+$0x0] =	vst.idx.add.f32.msk $0xffff, v1;
	s26 =	sadd.s32 $0x200, s26;
	s25 =	sadd.s32 $0x200, s25  }
0xde: {  	v9 =	vld [tilespmem:s25+$0xFFFFFF30];
	p0 =	slt.u32 s29, $0x1F0;
	[tilespmem:s28+$0xFFFFFF50] =	vst v12  }
0xdf: {  	v12 =	vld [tilespmem:s25+$0xFFFFFF50];
	[tilespmem:s28+$0xFFFFFF30] =	vst v14  }
0xe0: {  	v14 =	vld.idx.msk [tilespmem:v2+s17+$0x0], $0xffff;
	[tilespmem:s28+$0xFFFFFF60] =	vst v10  }
0xe1: {  	[tilespmem:v6+s20+$0x0] =	vst.idx.add.f32.msk $0xffff, v1  }
0xe2: {  	[tilespmem:v5+s20+$0x0] =	vst.idx.add.f32.msk $0xffff, v1  }
0xe3: {  	[tilespmem:v7+s20+$0x0] =	vst.idx.add.f32.msk $0xffff, v1  }
0xe4: {  	[tilespmem:v3+s20+$0x0] =	vst.idx.add.f32.msk $0xffff, v1;
	v3 =	vmov v9;
	v5 =	vmov v12  }
0xe5: {  	v6 =	vld [tilespmem:s25+$0xFFFFFF40];
	[tilespmem:s28+$0x10] =	vst v13  }
0xe6: {  	[tilespmem:v8+s20+$0x0] =	vst.idx.add.f32.msk $0xffff, v1  }
0xe7: {  	v10 =	vld [tilespmem:s25+$0x70];
	[tilespmem:s28+$0xFFFFFF20] =	vst v14  }
0xe8: {  	v7 =	vld [tilespmem:s25+$0xFFFFFF60];
	[tilespmem:s28+$0xFFFFFF10] =	vst v11;
	s28 =	smov.u32 s26  }
0xe9: {  	[tilespmem:v4+s20+$0x0] =	vst.idx.add.f32.msk $0xffff, v1  }
0xea: {  	[tilespmem:v2+s20+$0x0] =	vst.idx.add.f32.msk $0xffff, v1  }
0xeb: {  	v2 =	vld [tilespmem:s25+$0xFFFFFF20]  }
0xec: {  	v4 =	vld [tilespmem:s25+$0xFFFFFF10]  }
0xed: {  	v8 =	vld [tilespmem:s25+$0x10]  }
0xee: {  	v11 =	vld [tilespmem:s25+$0xFFFFFF00]  }
0xef: {  	v15 =	vld [tilespmem:s25+$0xFFFFFF70]  }
0xf0: {  	v12 =	vld.idx.msk [tilespmem:v6+s17+$0x0], $0xffff  }
0xf1: {  	v9 =	vld [tilespmem:s25+$0x60]  }
0xf2: {  	v13 =	vld [tilespmem:s25+$0x50]  }
0xf3: {  	v14 =	vld [tilespmem:s25+$0x40]  }
0xf4: {  	v16 =	vld [tilespmem:s25+$0x30]  }
0xf5: {  	v17 =	vld [tilespmem:s25+$0x20]  }
0xf6: {  	v18 =	vld.idx.msk [tilespmem:v11+s17+$0x0], $0xffff;
	[tilespmem:s26+$0xFFFFFF40] =	vst v12  }
0xf7: {  	v19 =	vld [tilespmem:s25+$0x0]  }
0xf8: {  	v12 =	vld.idx.msk [tilespmem:v10+s17+$0x0], $0xffff  }
0xf9: {  	v20 =	vld.idx.msk [tilespmem:v9+s17+$0x0], $0xffff  }
0xfa: {  	v21 =	vld.idx.msk [tilespmem:v13+s17+$0x0], $0xffff  }
0xfb: {  	v22 =	vld.idx.msk [tilespmem:v14+s17+$0x0], $0xffff  }
0xfc: {  	[tilespmem:s26+$0xFFFFFF00] =	vst v18;
	v18 =	vld.idx.msk [tilespmem:v16+s17+$0x0], $0xffff  }
0xfd: {  	[tilespmem:v11+s20+$0x0] =	vst.idx.add.f32.msk $0xffff, v1  }
0xfe: {  	v11 =	vld.idx.msk [tilespmem:v17+s17+$0x0], $0xffff;
	[tilespmem:s26+$0x70] =	vst v12  }
0xff: {  	[tilespmem:v10+s20+$0x0] =	vst.idx.add.f32.msk $0xffff, v1  }
0x100: {  	v23 =	vld.idx.msk [tilespmem:v15+s17+$0x0], $0xffff;
	[tilespmem:s26+$0x50] =	vst v21  }
0x101: {  	v10 =	vld.idx.msk [tilespmem:v7+s17+$0x0], $0xffff;
	[tilespmem:s26+$0x40] =	vst v22  }
0x102: {  	v21 =	vld.idx.msk [tilespmem:v19+s17+$0x0], $0xffff;
	[tilespmem:s26+$0x30] =	vst v18  }
0x103: {  	v12 =	vld.idx.msk [tilespmem:v5+s17+$0x0], $0xffff;
	[tilespmem:s26+$0x60] =	vst v20  }
0x104: {  	[tilespmem:v13+s20+$0x0] =	vst.idx.add.f32.msk $0xffff, v1  }
0x105: {  	[tilespmem:v14+s20+$0x0] =	vst.idx.add.f32.msk $0xffff, v1  }
0x106: {  	v14 =	vld.idx.msk [tilespmem:v3+s17+$0x0], $0xffff;
	[tilespmem:s26+$0x20] =	vst v11  }
0x107: {  	[tilespmem:v16+s20+$0x0] =	vst.idx.add.f32.msk $0xffff, v1  }
.Ltmp5:
0x108: {  	[tilespmem:v17+s20+$0x0] =	vst.idx.add.f32.msk $0xffff, v1;
	(pc) =	sbr.rel @p0 .LBB2_12-.Ltmp5, $4  }
0x109: {  	v11 =	vld.idx.msk [tilespmem:v4+s17+$0x0], $0xffff;
	[tilespmem:s26+$0x0] =	vst v21  }
0x10a: {  	[tilespmem:s26+$0xFFFFFF70] =	vst v23;
	v13 =	vld.idx.msk [tilespmem:v8+s17+$0x0], $0xffff  }
0x10b: {  	[tilespmem:v19+s20+$0x0] =	vst.idx.add.f32.msk $0xffff, v1  }
0x10c: {  	[tilespmem:v15+s20+$0x0] =	vst.idx.add.f32.msk $0xffff, v1  }
0x10d: {  	_ =	sdelay $0x3  }
0x10e: {  	[tilespmem:v9+s20+$0x0] =	vst.idx.add.f32.msk $0xffff, v1  }
0x10f: {  	[tilespmem:s28+$0xFFFFFF50] =	vst v12  }
0x110: {  	[tilespmem:s28+$0xFFFFFF30] =	vst v14  }
0x111: {  	v63 =	vld.idx.msk [tilespmem:v2+s17+$0x0], $0xffff;
	[tilespmem:s28+$0xFFFFFF60] =	vst v10  }
0x112: {  	[tilespmem:v6+s20+$0x0] =	vst.idx.add.f32.msk $0xffff, v1  }
0x113: {  	[tilespmem:v5+s20+$0x0] =	vst.idx.add.f32.msk $0xffff, v1  }
0x114: {  	[tilespmem:v7+s20+$0x0] =	vst.idx.add.f32.msk $0xffff, v1  }
0x115: {  	[tilespmem:v3+s20+$0x0] =	vst.idx.add.f32.msk $0xffff, v1  }
0x116: {  	[tilespmem:s28+$0xFFFFFF10] =	vst v11  }
0x117: {  	[tilespmem:s28+$0x10] =	vst v13  }
0x118: {  	[tilespmem:v4+s20+$0x0] =	vst.idx.add.f32.msk $0xffff, v1  }
0x119: {  	[tilespmem:v8+s20+$0x0] =	vst.idx.add.f32.msk $0xffff, v1  }
0x11a: {  	s25 =	simm.s32 $0x4080;
	[tilespmem:s28+$0xFFFFFF20] =	vst v63  }
0x11b: {  	s26 =	simm.s32 $0x80;
	s29 =	sadd.s32 $0x0, s9;
	s28 =	simm.s32 $0x4180;
	[tilespmem:v2+s20+$0x0] =	vst.idx.add.f32.msk $0xffff, v1  }
.LBB2_14:
0x11c: {  	[hbm4b:s29+s2] =	stream.linear.scatter [tilespmem:s25], [sflag:$0x4], $0x80, $0x38;
	[tilespmem:$0x8100] =	vst v63  }
0x11d: {  	s29 =	smov.u32 s26;
	s25 =	smov.u32 s28;
	p0 =	sne.s32 s26, $0x1F80  }
.Ltmp6:
0x11e: {  	s26 =	sadd.s32 $0x80, s26;
	(pc) =	sbr.rel @p0 .LBB2_14-.Ltmp6, $2  }
0x11f: {  	_ =	sdelay $0x2  }
0x120: {  	s28 =	sadd.s32 $0x100, s28;
	s29 =	sadd.s32 s29, s9  }
0x121: {  	[hbm4b:s29+s2] =	stream.linear.scatter [tilespmem:s25], [sflag:$0x4], $0x80, $0x38;
	[tilespmem:$0x8100] =	vst v63  }
0x122: {  	s31 =	simm.s32 $0x0  }
0x123: {  	[hbm4b:s10+s31] =	stream.linear.scatter [tilespmem:s20], [sflag:$0x5], $0x80, $0x38;
	[tilespmem:$0x8100] =	vst v63  }
0x124: {  	_ =	swait.ge [sflag:s18], $0x80  }
0x125: {  	s25 =	simm.s32 $0x80;
	s26 =	simm.s32 $0x80;
	[sflag:s18] =	ssyncset.done $0x0  }
0x126: {  	s29 =	sadd.s32 $0x0, s11;
	s28 =	simm.s32 $0x180;
	[sflag:s18] =	ssyncadd.s32 $0xFFFFFF80  }
.LBB2_16:
0x127: {  	[tilespmem:s25], [sflag:$0x2] =	stream.linear.gather [hbm4b:s29+s2], $0x80, $0x38;
	[tilespmem:$0x8100] =	vst v63  }
0x128: {  	s29 =	smov.u32 s26;
	s25 =	smov.u32 s28;
	p0 =	sne.s32 s26, $0x1F80  }
.Ltmp7:
0x129: {  	s26 =	sadd.s32 $0x80, s26;
	(pc) =	sbr.rel @p0 .LBB2_16-.Ltmp7, $2  }
0x12a: {  	_ =	sdelay $0x2  }
0x12b: {  	s28 =	sadd.s32 $0x100, s28;
	s29 =	sadd.s32 s29, s11  }
0x12c: {  	[tilespmem:s25], [sflag:$0x2] =	stream.linear.gather [hbm4b:s29+s2], $0x80, $0x38;
	[tilespmem:$0x8100] =	vst v63  }
0x12d: {  	_ =	swait.ge [sflag:s19], $0x2000  }
0x12e: {  	[sflag:s19] =	ssyncset.done $0x0  }
0x12f: {  	[sflag:s19] =	ssyncadd.s32 $0xFFFFE000  }
0x130: {  	_ =	swait.ge [sflag:s22], $0x2000  }
0x131: {  	[sflag:s22] =	ssyncset.done $0x0  }
0x132: {  	[sflag:s22] =	ssyncadd.s32 $0xFFFFE000  }
0x133: {  	[tilespmem:$0x8080] =	vst v0  }
0x134: {  	[tilespmem:$0x8090] =	vst v0  }
0x135: {  	[tilespmem:$0x80A0] =	vst v0  }
0x136: {  	[tilespmem:$0x80B0] =	vst v0  }
0x137: {  	[tilespmem:$0x80C0] =	vst v0  }
0x138: {  	[tilespmem:$0x80D0] =	vst v0  }
0x139: {  	[tilespmem:$0x80E0] =	vst v0  }
0x13a: {  	s25 =	simm.s32 $0x100;
	[tilespmem:$0x80F0] =	vst v0  }
0x13b: {  	v3 =	vld [tilespmem:s25+$0xFFFFFF30]  }
0x13c: {  	v5 =	vld [tilespmem:s25+$0xFFFFFF50]  }
0x13d: {  	v6 =	vld [tilespmem:s25+$0xFFFFFF40]  }
0x13e: {  	v10 =	vld [tilespmem:s25+$0x70]  }
0x13f: {  	v7 =	vld [tilespmem:s25+$0xFFFFFF60]  }
0x140: {  	v2 =	vld [tilespmem:s25+$0xFFFFFF20]  }
0x141: {  	v4 =	vld [tilespmem:s25+$0xFFFFFF10]  }
0x142: {  	v8 =	vld [tilespmem:s25+$0x10]  }
0x143: {  	v11 =	vld [tilespmem:s25+$0xFFFFFF00]  }
0x144: {  	v15 =	vld [tilespmem:s25+$0xFFFFFF70]  }
0x145: {  	v9 =	vld [tilespmem:s25+$0x60]  }
0x146: {  	v13 =	vld [tilespmem:s25+$0x50]  }
0x147: {  	v14 =	vld [tilespmem:s25+$0x40]  }
0x148: {  	v16 =	vld [tilespmem:s25+$0x30]  }
0x149: {  	v17 =	vld [tilespmem:s25+$0x20]  }
0x14a: {  	v19 =	vld [tilespmem:s25+$0x0]  }
0x14b: {  	v12 =	vld.idx.msk [tilespmem:v6+s17+$0x0], $0xffff  }
0x14c: {  	v18 =	vld.idx.msk [tilespmem:v11+s17+$0x0], $0xffff  }
0x14d: {  	v20 =	vld.idx.msk [tilespmem:v10+s17+$0x0], $0xffff  }
0x14e: {  	v22 =	vld.idx.msk [tilespmem:v13+s17+$0x0], $0xffff  }
0x14f: {  	s26 =	simm.s32 $0x4100;
	v21 =	vld.idx.msk [tilespmem:v9+s17+$0x0], $0xffff  }
0x150: {  	v61 =	vld.idx.msk [tilespmem:v16+s17+$0x0], $0xffff;
	[tilespmem:s26+$0xFFFFFF40] =	vst v12  }
0x151: {  	v62 =	vld.idx.msk [tilespmem:v15+s17+$0x0], $0xffff;
	[tilespmem:s26+$0xFFFFFF00] =	vst v18  }
0x152: {  	v63 =	vld.idx.msk [tilespmem:v19+s17+$0x0], $0xffff;
	[tilespmem:s26+$0x70] =	vst v20  }
0x153: {  	v12 =	vld.idx.msk [tilespmem:v14+s17+$0x0], $0xffff;
	[tilespmem:s26+$0x50] =	vst v22  }
0x154: {  	[tilespmem:v11+s20+$0x0] =	vst.idx.add.f32.msk $0xffff, v1  }
0x155: {  	[tilespmem:s26+$0x30] =	vst v61;
	v11 =	vld.idx.msk [tilespmem:v17+s17+$0x0], $0xffff  }
0x156: {  	[tilespmem:v10+s20+$0x0] =	vst.idx.add.f32.msk $0xffff, v1  }
0x157: {  	[tilespmem:s26+$0x0] =	vst v63;
	v10 =	vld.idx.msk [tilespmem:v7+s17+$0x0], $0xffff  }
0x158: {  	[tilespmem:v13+s20+$0x0] =	vst.idx.add.f32.msk $0xffff, v1  }
0x159: {  	[tilespmem:v16+s20+$0x0] =	vst.idx.add.f32.msk $0xffff, v1  }
0x15a: {  	[tilespmem:s26+$0xFFFFFF70] =	vst v62;
	v13 =	vld.idx.msk [tilespmem:v8+s17+$0x0], $0xffff  }
0x15b: {  	[tilespmem:v19+s20+$0x0] =	vst.idx.add.f32.msk $0xffff, v1  }
0x15c: {  	[tilespmem:v15+s20+$0x0] =	vst.idx.add.f32.msk $0xffff, v1  }
0x15d: {  	[tilespmem:s26+$0x40] =	vst v12;
	v12 =	vld.idx.msk [tilespmem:v5+s17+$0x0], $0xffff  }
0x15e: {  	[tilespmem:v14+s20+$0x0] =	vst.idx.add.f32.msk $0xffff, v1  }
0x15f: {  	[tilespmem:s26+$0x60] =	vst v21;
	v14 =	vld.idx.msk [tilespmem:v3+s17+$0x0], $0xffff  }
0x160: {  	[tilespmem:s26+$0x20] =	vst v11;
	v11 =	vld.idx.msk [tilespmem:v4+s17+$0x0], $0xffff  }
0x161: {  	s29 =	simm.s32 $0x0;
	s28 =	simm.s32 $0x4100;
	[tilespmem:v17+s20+$0x0] =	vst.idx.add.f32.msk $0xffff, v1  }
.LBB2_18:
0x162: {  	s29 =	sadd.s32 $0x10, s29;
	[tilespmem:v9+s20+$0x0] =	vst.idx.add.f32.msk $0xffff, v1;
	s26 =	sadd.s32 $0x200, s26;
	s25 =	sadd.s32 $0x200, s25  }
0x163: {  	v9 =	vld [tilespmem:s25+$0xFFFFFF30];
	p0 =	slt.u32 s29, $0x1F0;
	[tilespmem:s28+$0xFFFFFF50] =	vst v12  }
0x164: {  	v12 =	vld [tilespmem:s25+$0xFFFFFF50];
	[tilespmem:s28+$0xFFFFFF30] =	vst v14  }
0x165: {  	v14 =	vld.idx.msk [tilespmem:v2+s17+$0x0], $0xffff;
	[tilespmem:s28+$0xFFFFFF60] =	vst v10  }
0x166: {  	[tilespmem:v6+s20+$0x0] =	vst.idx.add.f32.msk $0xffff, v1  }
0x167: {  	[tilespmem:v5+s20+$0x0] =	vst.idx.add.f32.msk $0xffff, v1  }
0x168: {  	[tilespmem:v7+s20+$0x0] =	vst.idx.add.f32.msk $0xffff, v1  }
0x169: {  	[tilespmem:v3+s20+$0x0] =	vst.idx.add.f32.msk $0xffff, v1;
	v3 =	vmov v9;
	v5 =	vmov v12  }
0x16a: {  	v6 =	vld [tilespmem:s25+$0xFFFFFF40];
	[tilespmem:s28+$0x10] =	vst v13  }
0x16b: {  	[tilespmem:v8+s20+$0x0] =	vst.idx.add.f32.msk $0xffff, v1  }
0x16c: {  	v10 =	vld [tilespmem:s25+$0x70];
	[tilespmem:s28+$0xFFFFFF20] =	vst v14  }
0x16d: {  	v7 =	vld [tilespmem:s25+$0xFFFFFF60];
	[tilespmem:s28+$0xFFFFFF10] =	vst v11;
	s28 =	smov.u32 s26  }
0x16e: {  	[tilespmem:v4+s20+$0x0] =	vst.idx.add.f32.msk $0xffff, v1  }
0x16f: {  	[tilespmem:v2+s20+$0x0] =	vst.idx.add.f32.msk $0xffff, v1  }
0x170: {  	v2 =	vld [tilespmem:s25+$0xFFFFFF20]  }
0x171: {  	v4 =	vld [tilespmem:s25+$0xFFFFFF10]  }
0x172: {  	v8 =	vld [tilespmem:s25+$0x10]  }
0x173: {  	v11 =	vld [tilespmem:s25+$0xFFFFFF00]  }
0x174: {  	v15 =	vld [tilespmem:s25+$0xFFFFFF70]  }
0x175: {  	v12 =	vld.idx.msk [tilespmem:v6+s17+$0x0], $0xffff  }
0x176: {  	v9 =	vld [tilespmem:s25+$0x60]  }
0x177: {  	v13 =	vld [tilespmem:s25+$0x50]  }
0x178: {  	v14 =	vld [tilespmem:s25+$0x40]  }
0x179: {  	v16 =	vld [tilespmem:s25+$0x30]  }
0x17a: {  	v17 =	vld [tilespmem:s25+$0x20]  }
0x17b: {  	v18 =	vld.idx.msk [tilespmem:v11+s17+$0x0], $0xffff;
	[tilespmem:s26+$0xFFFFFF40] =	vst v12  }
0x17c: {  	v19 =	vld [tilespmem:s25+$0x0]  }
0x17d: {  	v12 =	vld.idx.msk [tilespmem:v10+s17+$0x0], $0xffff  }
0x17e: {  	v20 =	vld.idx.msk [tilespmem:v9+s17+$0x0], $0xffff  }
0x17f: {  	v21 =	vld.idx.msk [tilespmem:v13+s17+$0x0], $0xffff  }
0x180: {  	v22 =	vld.idx.msk [tilespmem:v14+s17+$0x0], $0xffff  }
0x181: {  	[tilespmem:s26+$0xFFFFFF00] =	vst v18;
	v18 =	vld.idx.msk [tilespmem:v16+s17+$0x0], $0xffff  }
0x182: {  	[tilespmem:v11+s20+$0x0] =	vst.idx.add.f32.msk $0xffff, v1  }
0x183: {  	v11 =	vld.idx.msk [tilespmem:v17+s17+$0x0], $0xffff;
	[tilespmem:s26+$0x70] =	vst v12  }
0x184: {  	[tilespmem:v10+s20+$0x0] =	vst.idx.add.f32.msk $0xffff, v1  }
0x185: {  	v23 =	vld.idx.msk [tilespmem:v15+s17+$0x0], $0xffff;
	[tilespmem:s26+$0x50] =	vst v21  }
0x186: {  	v10 =	vld.idx.msk [tilespmem:v7+s17+$0x0], $0xffff;
	[tilespmem:s26+$0x40] =	vst v22  }
0x187: {  	v21 =	vld.idx.msk [tilespmem:v19+s17+$0x0], $0xffff;
	[tilespmem:s26+$0x30] =	vst v18  }
0x188: {  	v12 =	vld.idx.msk [tilespmem:v5+s17+$0x0], $0xffff;
	[tilespmem:s26+$0x60] =	vst v20  }
0x189: {  	[tilespmem:v13+s20+$0x0] =	vst.idx.add.f32.msk $0xffff, v1  }
0x18a: {  	[tilespmem:v14+s20+$0x0] =	vst.idx.add.f32.msk $0xffff, v1  }
0x18b: {  	v14 =	vld.idx.msk [tilespmem:v3+s17+$0x0], $0xffff;
	[tilespmem:s26+$0x20] =	vst v11  }
0x18c: {  	[tilespmem:v16+s20+$0x0] =	vst.idx.add.f32.msk $0xffff, v1  }
.Ltmp8:
0x18d: {  	[tilespmem:v17+s20+$0x0] =	vst.idx.add.f32.msk $0xffff, v1;
	(pc) =	sbr.rel @p0 .LBB2_18-.Ltmp8, $4  }
0x18e: {  	v11 =	vld.idx.msk [tilespmem:v4+s17+$0x0], $0xffff;
	[tilespmem:s26+$0x0] =	vst v21  }
0x18f: {  	[tilespmem:s26+$0xFFFFFF70] =	vst v23;
	v13 =	vld.idx.msk [tilespmem:v8+s17+$0x0], $0xffff  }
0x190: {  	[tilespmem:v19+s20+$0x0] =	vst.idx.add.f32.msk $0xffff, v1  }
0x191: {  	[tilespmem:v15+s20+$0x0] =	vst.idx.add.f32.msk $0xffff, v1  }
0x192: {  	_ =	sdelay $0x3  }
0x193: {  	[tilespmem:v9+s20+$0x0] =	vst.idx.add.f32.msk $0xffff, v1  }
0x194: {  	[tilespmem:s28+$0xFFFFFF50] =	vst v12  }
0x195: {  	[tilespmem:s28+$0xFFFFFF30] =	vst v14  }
0x196: {  	v63 =	vld.idx.msk [tilespmem:v2+s17+$0x0], $0xffff;
	[tilespmem:s28+$0xFFFFFF60] =	vst v10  }
0x197: {  	[tilespmem:v6+s20+$0x0] =	vst.idx.add.f32.msk $0xffff, v1  }
0x198: {  	[tilespmem:v5+s20+$0x0] =	vst.idx.add.f32.msk $0xffff, v1  }
0x199: {  	[tilespmem:v7+s20+$0x0] =	vst.idx.add.f32.msk $0xffff, v1  }
0x19a: {  	[tilespmem:v3+s20+$0x0] =	vst.idx.add.f32.msk $0xffff, v1  }
0x19b: {  	[tilespmem:s28+$0xFFFFFF10] =	vst v11  }
0x19c: {  	[tilespmem:s28+$0x10] =	vst v13  }
0x19d: {  	[tilespmem:v4+s20+$0x0] =	vst.idx.add.f32.msk $0xffff, v1  }
0x19e: {  	[tilespmem:v8+s20+$0x0] =	vst.idx.add.f32.msk $0xffff, v1  }
0x19f: {  	s25 =	simm.s32 $0x4000;
	[tilespmem:s28+$0xFFFFFF20] =	vst v63  }
0x1a0: {  	s26 =	simm.s32 $0x80;
	s29 =	sadd.s32 $0x0, s12;
	s28 =	simm.s32 $0x4100;
	[tilespmem:v2+s20+$0x0] =	vst.idx.add.f32.msk $0xffff, v1  }
.LBB2_20:
0x1a1: {  	[hbm4b:s29+s2] =	stream.linear.scatter [tilespmem:s25], [sflag:$0x3], $0x80, $0x38;
	[tilespmem:$0x8100] =	vst v63  }
0x1a2: {  	s29 =	smov.u32 s26;
	s25 =	smov.u32 s28;
	p0 =	sne.s32 s26, $0x1F80  }
.Ltmp9:
0x1a3: {  	s26 =	sadd.s32 $0x80, s26;
	(pc) =	sbr.rel @p0 .LBB2_20-.Ltmp9, $2  }
0x1a4: {  	_ =	sdelay $0x2  }
0x1a5: {  	s28 =	sadd.s32 $0x100, s28;
	s29 =	sadd.s32 s29, s12  }
0x1a6: {  	[hbm4b:s29+s2] =	stream.linear.scatter [tilespmem:s25], [sflag:$0x3], $0x80, $0x38;
	[tilespmem:$0x8100] =	vst v63  }
0x1a7: {  	_ = 	snop  }
0x1a8: {  	[hbm4b:s13+s2] =	stream.linear.scatter [tilespmem:s20], [sflag:$0x5], $0x80, $0x38;
	[tilespmem:$0x8100] =	vst v63  }
0x1a9: {  	_ =	swait.ge [sflag:s18], $0x80  }
0x1aa: {  	[sflag:s18] =	ssyncset.done $0x0  }
0x1ab: {  	[sflag:s18] =	ssyncadd.s32 $0xFFFFFF80  }
0x1ac: {  	_ =	swait.ge [sflag:s21], $0x2000  }
0x1ad: {  	[sflag:s21] =	ssyncset.done $0x0  }
0x1ae: {  	[sflag:s21] =	ssyncadd.s32 $0xFFFFE000  }
0x1af: {  	_ =	swait.ge [sflag:s23], $0x2000  }
0x1b0: {  	[sflag:s23] =	ssyncset.done $0x0  }
0x1b1: {  	[sflag:s23] =	ssyncadd.s32 $0xFFFFE000  }
0x1b2: {  	[tilespmem:$0x8080] =	vst v0  }
0x1b3: {  	[tilespmem:$0x8090] =	vst v0  }
0x1b4: {  	[tilespmem:$0x80A0] =	vst v0  }
0x1b5: {  	[tilespmem:$0x80B0] =	vst v0  }
0x1b6: {  	[tilespmem:$0x80C0] =	vst v0  }
0x1b7: {  	[tilespmem:$0x80D0] =	vst v0  }
0x1b8: {  	[tilespmem:$0x80E0] =	vst v0  }
0x1b9: {  	s25 =	simm.s32 $0x180;
	[tilespmem:$0x80F0] =	vst v0  }
0x1ba: {  	v3 =	vld [tilespmem:s25+$0xFFFFFF30]  }
0x1bb: {  	v5 =	vld [tilespmem:s25+$0xFFFFFF50]  }
0x1bc: {  	v6 =	vld [tilespmem:s25+$0xFFFFFF40]  }
0x1bd: {  	v10 =	vld [tilespmem:s25+$0x70]  }
0x1be: {  	v7 =	vld [tilespmem:s25+$0xFFFFFF60]  }
0x1bf: {  	v2 =	vld [tilespmem:s25+$0xFFFFFF20]  }
0x1c0: {  	v4 =	vld [tilespmem:s25+$0xFFFFFF10]  }
0x1c1: {  	v8 =	vld [tilespmem:s25+$0x10]  }
0x1c2: {  	v11 =	vld [tilespmem:s25+$0xFFFFFF00]  }
0x1c3: {  	v15 =	vld [tilespmem:s25+$0xFFFFFF70]  }
0x1c4: {  	v9 =	vld [tilespmem:s25+$0x60]  }
0x1c5: {  	v13 =	vld [tilespmem:s25+$0x50]  }
0x1c6: {  	v14 =	vld [tilespmem:s25+$0x40]  }
0x1c7: {  	v16 =	vld [tilespmem:s25+$0x30]  }
0x1c8: {  	v17 =	vld [tilespmem:s25+$0x20]  }
0x1c9: {  	v19 =	vld [tilespmem:s25+$0x0]  }
0x1ca: {  	v12 =	vld.idx.msk [tilespmem:v6+s17+$0x0], $0xffff  }
0x1cb: {  	v18 =	vld.idx.msk [tilespmem:v11+s17+$0x0], $0xffff  }
0x1cc: {  	v20 =	vld.idx.msk [tilespmem:v10+s17+$0x0], $0xffff  }
0x1cd: {  	v22 =	vld.idx.msk [tilespmem:v13+s17+$0x0], $0xffff  }
0x1ce: {  	s26 =	simm.s32 $0x4180;
	v21 =	vld.idx.msk [tilespmem:v9+s17+$0x0], $0xffff  }
0x1cf: {  	v61 =	vld.idx.msk [tilespmem:v16+s17+$0x0], $0xffff;
	[tilespmem:s26+$0xFFFFFF40] =	vst v12  }
0x1d0: {  	v62 =	vld.idx.msk [tilespmem:v15+s17+$0x0], $0xffff;
	[tilespmem:s26+$0xFFFFFF00] =	vst v18  }
0x1d1: {  	v63 =	vld.idx.msk [tilespmem:v19+s17+$0x0], $0xffff;
	[tilespmem:s26+$0x70] =	vst v20  }
0x1d2: {  	v12 =	vld.idx.msk [tilespmem:v14+s17+$0x0], $0xffff;
	[tilespmem:s26+$0x50] =	vst v22  }
0x1d3: {  	[tilespmem:v11+s20+$0x0] =	vst.idx.add.f32.msk $0xffff, v1  }
0x1d4: {  	[tilespmem:s26+$0x30] =	vst v61;
	v11 =	vld.idx.msk [tilespmem:v17+s17+$0x0], $0xffff  }
0x1d5: {  	[tilespmem:v10+s20+$0x0] =	vst.idx.add.f32.msk $0xffff, v1  }
0x1d6: {  	[tilespmem:s26+$0x0] =	vst v63;
	v10 =	vld.idx.msk [tilespmem:v7+s17+$0x0], $0xffff  }
0x1d7: {  	[tilespmem:v13+s20+$0x0] =	vst.idx.add.f32.msk $0xffff, v1  }
0x1d8: {  	[tilespmem:v16+s20+$0x0] =	vst.idx.add.f32.msk $0xffff, v1  }
0x1d9: {  	[tilespmem:s26+$0xFFFFFF70] =	vst v62;
	v13 =	vld.idx.msk [tilespmem:v8+s17+$0x0], $0xffff  }
0x1da: {  	[tilespmem:v19+s20+$0x0] =	vst.idx.add.f32.msk $0xffff, v1  }
0x1db: {  	[tilespmem:v15+s20+$0x0] =	vst.idx.add.f32.msk $0xffff, v1  }
0x1dc: {  	[tilespmem:s26+$0x40] =	vst v12;
	v12 =	vld.idx.msk [tilespmem:v5+s17+$0x0], $0xffff  }
0x1dd: {  	[tilespmem:v14+s20+$0x0] =	vst.idx.add.f32.msk $0xffff, v1  }
0x1de: {  	[tilespmem:s26+$0x60] =	vst v21;
	v14 =	vld.idx.msk [tilespmem:v3+s17+$0x0], $0xffff  }
0x1df: {  	[tilespmem:s26+$0x20] =	vst v11;
	v11 =	vld.idx.msk [tilespmem:v4+s17+$0x0], $0xffff  }
0x1e0: {  	s29 =	simm.s32 $0x0;
	s28 =	simm.s32 $0x4180;
	[tilespmem:v17+s20+$0x0] =	vst.idx.add.f32.msk $0xffff, v1  }
.LBB2_22:
0x1e1: {  	s29 =	sadd.s32 $0x10, s29;
	[tilespmem:v9+s20+$0x0] =	vst.idx.add.f32.msk $0xffff, v1;
	s26 =	sadd.s32 $0x200, s26;
	s25 =	sadd.s32 $0x200, s25  }
0x1e2: {  	v9 =	vld [tilespmem:s25+$0xFFFFFF30];
	p0 =	slt.u32 s29, $0x1F0;
	[tilespmem:s28+$0xFFFFFF50] =	vst v12  }
0x1e3: {  	v12 =	vld [tilespmem:s25+$0xFFFFFF50];
	[tilespmem:s28+$0xFFFFFF30] =	vst v14  }
0x1e4: {  	v14 =	vld.idx.msk [tilespmem:v2+s17+$0x0], $0xffff;
	[tilespmem:s28+$0xFFFFFF60] =	vst v10  }
0x1e5: {  	[tilespmem:v6+s20+$0x0] =	vst.idx.add.f32.msk $0xffff, v1  }
0x1e6: {  	[tilespmem:v5+s20+$0x0] =	vst.idx.add.f32.msk $0xffff, v1  }
0x1e7: {  	[tilespmem:v7+s20+$0x0] =	vst.idx.add.f32.msk $0xffff, v1  }
0x1e8: {  	[tilespmem:v3+s20+$0x0] =	vst.idx.add.f32.msk $0xffff, v1;
	v3 =	vmov v9;
	v5 =	vmov v12  }
0x1e9: {  	v6 =	vld [tilespmem:s25+$0xFFFFFF40];
	[tilespmem:s28+$0x10] =	vst v13  }
0x1ea: {  	[tilespmem:v8+s20+$0x0] =	vst.idx.add.f32.msk $0xffff, v1  }
0x1eb: {  	v10 =	vld [tilespmem:s25+$0x70];
	[tilespmem:s28+$0xFFFFFF20] =	vst v14  }
0x1ec: {  	v7 =	vld [tilespmem:s25+$0xFFFFFF60];
	[tilespmem:s28+$0xFFFFFF10] =	vst v11;
	s28 =	smov.u32 s26  }
0x1ed: {  	[tilespmem:v4+s20+$0x0] =	vst.idx.add.f32.msk $0xffff, v1  }
0x1ee: {  	[tilespmem:v2+s20+$0x0] =	vst.idx.add.f32.msk $0xffff, v1  }
0x1ef: {  	v2 =	vld [tilespmem:s25+$0xFFFFFF20]  }
0x1f0: {  	v4 =	vld [tilespmem:s25+$0xFFFFFF10]  }
0x1f1: {  	v8 =	vld [tilespmem:s25+$0x10]  }
0x1f2: {  	v11 =	vld [tilespmem:s25+$0xFFFFFF00]  }
0x1f3: {  	v15 =	vld [tilespmem:s25+$0xFFFFFF70]  }
0x1f4: {  	v12 =	vld.idx.msk [tilespmem:v6+s17+$0x0], $0xffff  }
0x1f5: {  	v9 =	vld [tilespmem:s25+$0x60]  }
0x1f6: {  	v13 =	vld [tilespmem:s25+$0x50]  }
0x1f7: {  	v14 =	vld [tilespmem:s25+$0x40]  }
0x1f8: {  	v16 =	vld [tilespmem:s25+$0x30]  }
0x1f9: {  	v17 =	vld [tilespmem:s25+$0x20]  }
0x1fa: {  	v18 =	vld.idx.msk [tilespmem:v11+s17+$0x0], $0xffff;
	[tilespmem:s26+$0xFFFFFF40] =	vst v12  }
0x1fb: {  	v19 =	vld [tilespmem:s25+$0x0]  }
0x1fc: {  	v12 =	vld.idx.msk [tilespmem:v10+s17+$0x0], $0xffff  }
0x1fd: {  	v20 =	vld.idx.msk [tilespmem:v9+s17+$0x0], $0xffff  }
0x1fe: {  	v21 =	vld.idx.msk [tilespmem:v13+s17+$0x0], $0xffff  }
0x1ff: {  	v22 =	vld.idx.msk [tilespmem:v14+s17+$0x0], $0xffff  }
0x200: {  	[tilespmem:s26+$0xFFFFFF00] =	vst v18;
	v18 =	vld.idx.msk [tilespmem:v16+s17+$0x0], $0xffff  }
0x201: {  	[tilespmem:v11+s20+$0x0] =	vst.idx.add.f32.msk $0xffff, v1  }
0x202: {  	v11 =	vld.idx.msk [tilespmem:v17+s17+$0x0], $0xffff;
	[tilespmem:s26+$0x70] =	vst v12  }
0x203: {  	[tilespmem:v10+s20+$0x0] =	vst.idx.add.f32.msk $0xffff, v1  }
0x204: {  	v23 =	vld.idx.msk [tilespmem:v15+s17+$0x0], $0xffff;
	[tilespmem:s26+$0x50] =	vst v21  }
0x205: {  	v10 =	vld.idx.msk [tilespmem:v7+s17+$0x0], $0xffff;
	[tilespmem:s26+$0x40] =	vst v22  }
0x206: {  	v21 =	vld.idx.msk [tilespmem:v19+s17+$0x0], $0xffff;
	[tilespmem:s26+$0x30] =	vst v18  }
0x207: {  	v12 =	vld.idx.msk [tilespmem:v5+s17+$0x0], $0xffff;
	[tilespmem:s26+$0x60] =	vst v20  }
0x208: {  	[tilespmem:v13+s20+$0x0] =	vst.idx.add.f32.msk $0xffff, v1  }
0x209: {  	[tilespmem:v14+s20+$0x0] =	vst.idx.add.f32.msk $0xffff, v1  }
0x20a: {  	v14 =	vld.idx.msk [tilespmem:v3+s17+$0x0], $0xffff;
	[tilespmem:s26+$0x20] =	vst v11  }
0x20b: {  	[tilespmem:v16+s20+$0x0] =	vst.idx.add.f32.msk $0xffff, v1  }
.Ltmp10:
0x20c: {  	[tilespmem:v17+s20+$0x0] =	vst.idx.add.f32.msk $0xffff, v1;
	(pc) =	sbr.rel @p0 .LBB2_22-.Ltmp10, $4  }
0x20d: {  	v11 =	vld.idx.msk [tilespmem:v4+s17+$0x0], $0xffff;
	[tilespmem:s26+$0x0] =	vst v21  }
0x20e: {  	[tilespmem:s26+$0xFFFFFF70] =	vst v23;
	v13 =	vld.idx.msk [tilespmem:v8+s17+$0x0], $0xffff  }
0x20f: {  	[tilespmem:v19+s20+$0x0] =	vst.idx.add.f32.msk $0xffff, v1  }
0x210: {  	[tilespmem:v15+s20+$0x0] =	vst.idx.add.f32.msk $0xffff, v1  }
0x211: {  	_ =	sdelay $0x3  }
0x212: {  	[tilespmem:v9+s20+$0x0] =	vst.idx.add.f32.msk $0xffff, v1  }
0x213: {  	[tilespmem:s28+$0xFFFFFF50] =	vst v12  }
0x214: {  	[tilespmem:s28+$0xFFFFFF30] =	vst v14  }
0x215: {  	v63 =	vld.idx.msk [tilespmem:v2+s17+$0x0], $0xffff;
	[tilespmem:s28+$0xFFFFFF60] =	vst v10  }
0x216: {  	[tilespmem:v6+s20+$0x0] =	vst.idx.add.f32.msk $0xffff, v1  }
0x217: {  	[tilespmem:v5+s20+$0x0] =	vst.idx.add.f32.msk $0xffff, v1  }
0x218: {  	[tilespmem:v7+s20+$0x0] =	vst.idx.add.f32.msk $0xffff, v1  }
0x219: {  	[tilespmem:v3+s20+$0x0] =	vst.idx.add.f32.msk $0xffff, v1  }
0x21a: {  	[tilespmem:s28+$0xFFFFFF10] =	vst v11  }
0x21b: {  	[tilespmem:s28+$0x10] =	vst v13  }
0x21c: {  	[tilespmem:v4+s20+$0x0] =	vst.idx.add.f32.msk $0xffff, v1  }
0x21d: {  	[tilespmem:v8+s20+$0x0] =	vst.idx.add.f32.msk $0xffff, v1  }
0x21e: {  	s25 =	simm.s32 $0x4080;
	[tilespmem:s28+$0xFFFFFF20] =	vst v63  }
0x21f: {  	s26 =	simm.s32 $0x80;
	s29 =	sadd.s32 $0x0, s14;
	s28 =	simm.s32 $0x4180;
	[tilespmem:v2+s20+$0x0] =	vst.idx.add.f32.msk $0xffff, v1  }
.LBB2_24:
0x220: {  	[hbm4b:s29+s2] =	stream.linear.scatter [tilespmem:s25], [sflag:$0x4], $0x80, $0x38;
	[tilespmem:$0x8100] =	vst v63  }
0x221: {  	s29 =	smov.u32 s26;
	s25 =	smov.u32 s28;
	p0 =	sne.s32 s26, $0x1F80  }
.Ltmp11:
0x222: {  	s26 =	sadd.s32 $0x80, s26;
	(pc) =	sbr.rel @p0 .LBB2_24-.Ltmp11, $2  }
0x223: {  	_ =	sdelay $0x2  }
0x224: {  	s28 =	sadd.s32 $0x100, s28;
	s29 =	sadd.s32 s29, s14  }
0x225: {  	[hbm4b:s29+s2] =	stream.linear.scatter [tilespmem:s25], [sflag:$0x4], $0x80, $0x38;
	[tilespmem:$0x8100] =	vst v63  }
0x226: {  	_ = 	snop  }
0x227: {  	[hbm4b:s15+s2] =	stream.linear.scatter [tilespmem:s20], [sflag:$0x5], $0x80, $0x38;
	[tilespmem:$0x8100] =	vst v63  }
0x228: {  	_ =	swait.ge [sflag:s18], $0x80  }
0x229: {  	[sflag:s18] =	ssyncset.done $0x0  }
0x22a: {  	s24 =	sadd.s32 $0x1, s24;
	[sflag:s18] =	ssyncadd.s32 $0xFFFFFF80  }
0x22b: {  	p0 =	sne.s32 s24, s16;
	_ =	swait.ge [sflag:s22], $0x2000  }
.Ltmp12:
0x22c: {  	[sflag:s22] =	ssyncset.done $0x0;
	(pc) =	sbr.rel @p0 .LBB2_1-.Ltmp12, $4  }
0x22d: {  	[sflag:s22] =	ssyncadd.s32 $0xFFFFE000  }
0x22e: {  	_ =	swait.ge [sflag:s23], $0x2000  }
0x22f: {  	[sflag:s23] =	ssyncset.done $0x0  }
0x230: {  	[sflag:s23] =	ssyncadd.s32 $0xFFFFE000  }
0x231: {  	_ =	sfence.sel $0x180000  }
0x232: {  	[bflag:$0x0] =	sbarrier.arrive $0xFFFF  }
0x233: {  	p0 =	sne.s32 s3, $0x0;
	_ =	strace $0x90000047  }
0x234: {  	s0 =	sadd.s32 @!p0 $0x100000, s0;
	[bflag:$0x2] =	sbarrier.arrive $0xFFFF  }
0x235: {  	[sflag:s0] =	ssyncadd.tile.s32 @!p0 $0x1;
	_ =	shalt  }
.Lfunc_end2:
_tile_overlayer_lowered:
.L_overlay_start_2:
0x236: {  	(tag) =	ssettag $0x2  }
0x237: {  	s0 =	rddreg [dreg:$0x0];
	s2 =	stileid.u32  }
0x238: {  	s1 =	rddreg [dreg:$0x1];
	p0 =	sne.s32 s2, $0x0  }
0x239: {  	s3 =	rddreg [dreg:$0x2];
	[bflag:$0x3] =	sbarrier.arrive $0xFFFF;
	s2 =	simm.s32 @!p0 $0x1C05  }
0x23a: {  	[timem:s3], [sflag:s2] =	dma.local @!p0 [hbm:s0], s1  }
0x23b: {  	s0 =	simm.s32 @!p0 $0x5  }
0x23c: {  	_ =	swait.ge @!p0 [sflag:s0], s1  }
0x23d: {  	s1 =	ssub.s32 @!p0 $0x0, s1;
	[sflag:s0] =	ssyncset.done @!p0 $0x0  }
0x23e: {  	[sflag:s0] =	ssyncadd.s32 @!p0 s1  }
0x23f: {  	[bflag:$0x3] =	sbarrier.arrive $0xFFFF  }
0x240: {  	_ =	shalt  }

</sc_bundles>
